<compile_context>
chip_gen: v7x
topology: tpu7x:2x2x1
jax: 0.10.2.dev20260603
libtpu: 0.0.44.dev20260713+nightly
codegen_flags: <defaults>
</compile_context>

<pallas_src>
import functools

import jax
import jax.numpy as jnp
from jax import lax
from jax.experimental import pallas as pl
from jax.experimental.pallas import tpu as pltpu
from jax.experimental.pallas import tpu_sc as plsc

N = 10000
NP = 10240
IN_CH = 128
HID = 256
OUT = 128
NC = 2
NS = 16
LANES = 16

_MESH = dict(core_axis_name="c", subcore_axis_name="s")


def _deg_call(dst32):
    epw = dst32.shape[1]

    @functools.partial(
        pl.kernel,
        out_type=jax.ShapeDtypeStruct((NC * NS, NP), jnp.float32),
        mesh=plsc.VectorSubcoreMesh(**_MESH),
        compiler_params=pltpu.CompilerParams(needs_layout_passes=False),
        scratch_types=[
            pltpu.VMEM((epw,), jnp.int32),
            pltpu.VMEM((NP,), jnp.float32),
        ],
    )
    def k(dst_hbm, out_hbm, dbuf, cnt):
        cid = lax.axis_index("c")
        sid = lax.axis_index("s")
        wid = sid * NC + cid
        pltpu.sync_copy(dst_hbm.at[wid], dbuf)
        zeros = jnp.zeros((LANES,), jnp.float32)

        def zbody(i, c):
            cnt[pl.ds(pl.multiple_of(i * LANES, LANES), LANES)] = zeros
            return c

        lax.fori_loop(0, NP // LANES, zbody, 0)
        ones = jnp.full((LANES,), 1.0, jnp.float32)

        def body(i, c):
            idx = dbuf[pl.ds(pl.multiple_of(i * LANES, LANES), LANES)]
            plsc.addupdate_scatter(cnt, [idx], ones)
            return c

        lax.fori_loop(0, epw // LANES, body, 0)
        pltpu.sync_copy(cnt, out_hbm.at[wid])

    return k(dst32)


_KB = 8


def _agg_call(h, sb, db, zin):
    D = 128
    nblk = sb.shape[1]
    nch = (nblk // 2) * _KB
    rps = NP // NS

    @functools.partial(
        pl.kernel,
        out_type=[jax.ShapeDtypeStruct((NP, D), jnp.float32)] * 2,
        mesh=plsc.VectorSubcoreMesh(**_MESH),
        compiler_params=pltpu.CompilerParams(needs_layout_passes=False),
        scratch_types=[
            pltpu.VMEM((2, 2, _KB, 128), jnp.int32),
            pltpu.VMEM((2, 128, D), jnp.float32),
            pltpu.VMEM_SHARED((NP, D), jnp.float32),
            pltpu.SemaphoreType.DMA,
            pltpu.SemaphoreType.DMA,
            pltpu.SemaphoreType.DMA,
            pltpu.SemaphoreType.DMA,
        ],
    )
    def k(h_hbm, sb_hbm, db_hbm, z_hbm, a0_hbm, a1_hbm,
          ibuf, rows, acc, isem, gsem, ssem, csem):
        cid = lax.axis_index("c")
        sid = lax.axis_index("s")

        csl = pl.ds(sid * rps, rps)
        pltpu.async_copy(z_hbm, acc.at[csl], csem)

        table = h_hbm
        off = cid * nch

        def gather_start(par, pb, slot):
            pltpu.async_copy(
                table.at[ibuf.at[pb, 0, slot]], rows.at[par], gsem)

        def gather_wait(par, pb, slot):
            pltpu.make_async_copy(
                table.at[ibuf.at[pb, 0, slot]], rows.at[par], gsem).wait()

        def scatter_wait():
            pltpu.make_async_copy(
                rows.at[0], acc.at[ibuf.at[0, 1, 0]], ssem).wait()

        b0 = off // _KB
        pltpu.sync_copy(sb_hbm.at[sid, b0], ibuf.at[b0 % 2, 0])
        pltpu.sync_copy(db_hbm.at[sid, b0], ibuf.at[b0 % 2, 1])
        gather_start(0, b0 % 2, 0)
        pltpu.make_async_copy(z_hbm, acc.at[csl], csem).wait()
        plsc.subcore_barrier()

        def body(t, c):
            g = off + t
            b = g // _KB
            slot = g % _KB
            par = t % 2

            @pl.when(t > 0)
            def _():
                scatter_wait()

            @pl.when(jnp.logical_and(slot == 0, t + _KB < nch))
            def _():
                pltpu.async_copy(
                    sb_hbm.at[sid, b + 1], ibuf.at[(b + 1) % 2, 0], isem)
                pltpu.async_copy(
                    db_hbm.at[sid, b + 1], ibuf.at[(b + 1) % 2, 1], isem)

            nxt = t + 1
            gn = off + nxt
            bn = gn // _KB
            slotn = gn % _KB

            @pl.when(nxt < nch)
            def _():
                @pl.when(jnp.logical_and(slotn == 0, nxt >= _KB))
                def _():
                    pltpu.make_async_copy(
                        sb_hbm.at[sid, bn], ibuf.at[bn % 2, 0], isem).wait()
                    pltpu.make_async_copy(
                        db_hbm.at[sid, bn], ibuf.at[bn % 2, 1], isem).wait()

                gather_start(nxt % 2, bn % 2, slotn)

            gather_wait(par, b % 2, slot)
            pltpu.async_copy(
                rows.at[par], acc.at[ibuf.at[b % 2, 1, slot]],
                ssem, add=True)
            return c

        lax.fori_loop(0, nch, body, 0)
        scatter_wait()
        plsc.subcore_barrier()

        sl = pl.ds(sid * rps, rps)

        @pl.when(cid == 0)
        def _():
            pltpu.sync_copy(acc.at[sl], a0_hbm.at[sl])

        @pl.when(cid == 1)
        def _():
            pltpu.sync_copy(acc.at[sl], a1_hbm.at[sl])

    return k(h, sb, db, zin)


_NB = 8
_BR = NP // _NB


def _dinv_of(cnt_blk):
    deg = jnp.sum(cnt_blk, axis=0) + 1.0
    return lax.rsqrt(deg)


def _xprime_call(x_pad, cnt):
    def body(x_ref, cnt_ref, o_ref):
        dinv = _dinv_of(cnt_ref[...])
        o_ref[...] = x_ref[...] * dinv[:, None]

    return pl.pallas_call(
        body,
        grid=(_NB,),
        in_specs=[
            pl.BlockSpec((_BR, IN_CH), lambda i: (i, 0)),
            pl.BlockSpec((NC * NS, _BR), lambda i: (0, i)),
        ],
        out_specs=pl.BlockSpec((_BR, IN_CH), lambda i: (i, 0)),
        out_shape=jax.ShapeDtypeStruct((NP, IN_CH), jnp.float32),
    )(x_pad, cnt)


def _mid_call(a0, a1, xp, cnt, W1, b1, W2):
    def body(a0_ref, a1_ref, xp_ref, cnt_ref, w1_ref, b_ref, w2_ref, o_ref):
        dinv = _dinv_of(cnt_ref[...])
        t1 = a0_ref[...] + a1_ref[...] + xp_ref[...]
        h1 = jnp.dot(t1, w1_ref[...], preferred_element_type=jnp.float32)
        x2 = jnp.maximum(h1 * dinv[:, None] + b_ref[...], 0.0)
        h2 = jnp.dot(x2, w2_ref[...], preferred_element_type=jnp.float32)
        o_ref[...] = h2 * dinv[:, None]

    return pl.pallas_call(
        body,
        grid=(_NB,),
        in_specs=[
            pl.BlockSpec((_BR, IN_CH), lambda i: (i, 0)),
            pl.BlockSpec((_BR, IN_CH), lambda i: (i, 0)),
            pl.BlockSpec((_BR, IN_CH), lambda i: (i, 0)),
            pl.BlockSpec((NC * NS, _BR), lambda i: (0, i)),
            pl.BlockSpec((IN_CH, HID), lambda i: (0, 0)),
            pl.BlockSpec((1, HID), lambda i: (0, 0)),
            pl.BlockSpec((HID, OUT), lambda i: (0, 0)),
        ],
        out_specs=pl.BlockSpec((_BR, OUT), lambda i: (i, 0)),
        out_shape=jax.ShapeDtypeStruct((NP, OUT), jnp.float32),
    )(a0, a1, xp, cnt, W1, b1, W2)


def _final_call(p0, p1, h2, cnt, b2):
    def body(p0_ref, p1_ref, h2_ref, cnt_ref, b_ref, o_ref):
        dinv = _dinv_of(cnt_ref[...])
        t = p0_ref[...] + p1_ref[...] + h2_ref[...]
        o_ref[...] = jnp.maximum(t * dinv[:, None] + b_ref[...], 0.0)

    return pl.pallas_call(
        body,
        grid=(_NB,),
        in_specs=[
            pl.BlockSpec((_BR, OUT), lambda i: (i, 0)),
            pl.BlockSpec((_BR, OUT), lambda i: (i, 0)),
            pl.BlockSpec((_BR, OUT), lambda i: (i, 0)),
            pl.BlockSpec((NC * NS, _BR), lambda i: (0, i)),
            pl.BlockSpec((1, OUT), lambda i: (0, 0)),
        ],
        out_specs=pl.BlockSpec((_BR, OUT), lambda i: (i, 0)),
        out_shape=jax.ShapeDtypeStruct((NP, OUT), jnp.float32),
    )(p0, p1, h2, cnt, b2)


def kernel(tensor, edge_index, W1, b1, W2, b2):
    e = edge_index.shape[1]
    gran = NS * _KB * 128
    ep = -(-e // gran) * gran
    npad = ep - e
    ei = edge_index.astype(jnp.int32)
    ar = jnp.arange(npad, dtype=jnp.int32)
    src_p = jnp.concatenate([ei[0], ar % N])
    dst_p = jnp.concatenate([ei[1], N + ar % (NP - N)])
    nblk = ep // NS // (_KB * 128)
    sb = src_p.reshape(NS, nblk, _KB, 128)
    db = dst_p.reshape(NS, nblk, _KB, 128)
    dst32 = dst_p.reshape(NC * NS, ep // (NC * NS))
    x_pad = jnp.pad(tensor, ((0, NP - N), (0, 0)))
    z640 = jnp.zeros((NP // NS, 128), jnp.float32)

    cnt = _deg_call(dst32)
    xp = _xprime_call(x_pad, cnt)
    a0, a1 = _agg_call(xp, sb, db, z640)
    h2 = _mid_call(a0, a1, xp, cnt, W1, b1.reshape(1, -1), W2)
    p0, p1 = _agg_call(h2, sb, db, z640)
    out = _final_call(p0, p1, h2, cnt, b2.reshape(1, -1))
    return out[:N]

# --- scband reference (transcript-rebuilt; emitter-appended) ---
"""Pipeline reference for scband-gcnmodel-50989851738541 (READ-ONLY COPY).

The authoritative reference and input builder live on the scoring server;
editing this copy changes nothing except your own understanding.
"""

import jax, jax.numpy as jnp
import numpy as np

N_NODES = 10000
IN_CH = 128
HID_CH = 256
OUT_CH = 128
N_EDGES = 320000


def gcn_conv(x, edge_index, W, b):
    num_nodes = x.shape[0]
    src = edge_index[0]
    dst = edge_index[1]
    # add self-loops (PyG GCNConv default add_self_loops=True)
    loop = jnp.arange(num_nodes, dtype=edge_index.dtype)
    src = jnp.concatenate([src, loop])
    dst = jnp.concatenate([dst, loop])
    # symmetric normalization D^{-1/2} A_hat D^{-1/2}
    deg = jnp.zeros((num_nodes,), dtype=x.dtype).at[dst].add(1.0)
    deg_inv_sqrt = jnp.where(deg > 0, jax.lax.rsqrt(deg), 0.0)
    norm = deg_inv_sqrt[src] * deg_inv_sqrt[dst]
    h = x @ W
    msg = h[src] * norm[:, None]
    out = jnp.zeros((num_nodes, W.shape[1]), dtype=x.dtype).at[dst].add(msg)
    return out + b


def setup_inputs(seed: int = 0) -> dict:
    key = jax.random.key(seed)
    k1, k2, k3, k4, k5, k6 = jax.random.split(key, 6)
    tensor = jax.random.normal(k1, (N_NODES, IN_CH), dtype=jnp.float32)
    edge_index = jax.random.randint(k2, (2, N_EDGES), 0, N_NODES, dtype=jnp.int64)
    # glorot-style init for GCN weights
    W1 = jax.random.normal(k3, (IN_CH, HID_CH), dtype=jnp.float32) * (1.0 / np.sqrt(IN_CH))
    b1 = jnp.zeros((HID_CH,), dtype=jnp.float32)
    W2 = jax.random.normal(k4, (HID_CH, OUT_CH), dtype=jnp.float32) * (1.0 / np.sqrt(HID_CH))
    b2 = jnp.zeros((OUT_CH,), dtype=jnp.float32)
    return {"tensor": tensor, "edge_index": edge_index, "W1": W1, "b1": b1, "W2": W2, "b2": b2}


def reference(tensor, edge_index, W1, b1, W2, b2):
    # Dropout is treated as identity (deterministic eval-mode reference).
    x = gcn_conv(tensor, edge_index, W1, b1)
    x = jax.nn.relu(x)
    x = gcn_conv(x, edge_index, W2, b2)
    x = jax.nn.relu(x)
    return x

if __name__ == "__main__":
    import jax
    _d = setup_inputs()
    print(jax.jit(kernel)(*tuple(_d.values())))

</pallas_src>

<mosaic_0001>
#map = affine_map<(d0, d1) -> (0, 0)>
#map1 = affine_map<(d0, d1) -> (0, 0, 0, 0)>
module attributes {stable_mosaic.version = 14 : i64} {
  func.func @k(%arg0: i32, %arg1: i32, %arg2: memref<10240x128xf32, #tpu.memory_space<hbm>>, %arg3: memref<16x20x8x128xi32, #tpu.memory_space<hbm>>, %arg4: memref<16x20x8x128xi32, #tpu.memory_space<hbm>>, %arg5: memref<640x128xf32, #tpu.memory_space<hbm>>, %arg6: memref<10240x128xf32, #tpu.memory_space<hbm>>, %arg7: memref<10240x128xf32, #tpu.memory_space<hbm>>, %arg8: memref<2x2x8x128xi32, #tpu.memory_space<vmem>>, %arg9: memref<2x128x128xf32, #tpu.memory_space<vmem>>, %arg10: memref<10240x128xf32, #tpu.memory_space<vmem_shared>>, %arg11: memref<!tpu.dma_semaphore, #tpu.memory_space<semaphore_mem>>, %arg12: memref<!tpu.dma_semaphore, #tpu.memory_space<semaphore_mem>>, %arg13: memref<!tpu.dma_semaphore, #tpu.memory_space<semaphore_mem>>, %arg14: memref<!tpu.dma_semaphore, #tpu.memory_space<semaphore_mem>>) attributes {dimension_semantics = [#tpu.dimension_semantics<core_parallel>, #tpu.dimension_semantics<subcore_parallel>], iteration_bounds = array<i64: 2, 16>, scalar_prefetch = 0 : i64, scratch_operands = 7 : i64, tpu.core_type = #tpu.core_type<sc_vector_subcore>, window_params = [{transform_indices = #map}, {transform_indices = #map1}, {transform_indices = #map1}, {transform_indices = #map}, {transform_indices = #map}, {transform_indices = #map}]} {
    %mul3A = arith.constant 640 : i32
    %mul3A_0 = arith.muli %arg1, %mul3A : i32
    %dma_start3A = arith.constant 0 : i32
    %dma_start3A_1 = tpu.memref_slice %arg10[%mul3A_0, %dma_start3A] : memref<10240x128xf32, #tpu.memory_space<vmem_shared>> -> memref<640x128xf32, #tpu.memory_space<vmem_shared>>
    tpu.enqueue_dma source(%arg5 : memref<640x128xf32, #tpu.memory_space<hbm>>) target(%dma_start3A_1 : memref<640x128xf32, #tpu.memory_space<vmem_shared>>) target_semaphore(%arg14 : memref<!tpu.dma_semaphore, #tpu.memory_space<semaphore_mem>>)
    %mul3A_2 = arith.constant 80 : i32
    %mul3A_3 = arith.muli %arg0, %mul3A_2 : i32
    %jit3A = arith.constant 8 : i32
    %div3A = arith.divsi %mul3A_3, %jit3A : i32
    %sign3A = arith.constant 0 : i32
    %sign3A_4 = arith.cmpi sgt, %mul3A_3, %sign3A : i32
    %sign3A_5 = arith.extui %sign3A_4 : i1 to i32
    %sign3A_6 = arith.constant 0 : i32
    %sign3A_7 = arith.cmpi slt, %mul3A_3, %sign3A_6 : i32
    %sign3A_8 = arith.extui %sign3A_7 : i1 to i32
    %sign3A_9 = arith.subi %sign3A_5, %sign3A_8 : i32
    %sign3A_10 = arith.constant 0 : i32
    %sign3A_11 = arith.cmpi sgt, %jit3A, %sign3A_10 : i32
    %sign3A_12 = arith.extui %sign3A_11 : i1 to i32
    %sign3A_13 = arith.constant 0 : i32
    %sign3A_14 = arith.cmpi slt, %jit3A, %sign3A_13 : i32
    %sign3A_15 = arith.extui %sign3A_14 : i1 to i32
    %sign3A_16 = arith.subi %sign3A_12, %sign3A_15 : i32
    %ne3A = arith.cmpi ne, %sign3A_9, %sign3A_16 : i32
    %rem3A = arith.remsi %mul3A_3, %jit3A : i32
    %ne3A_17 = arith.constant 0 : i32
    %ne3A_18 = arith.cmpi ne, %rem3A, %ne3A_17 : i32
    %and3A = arith.andi %ne3A, %ne3A_18 : i1
    %sub3A = arith.constant 1 : i32
    %sub3A_19 = arith.subi %div3A, %sub3A : i32
    %select_n3A = arith.select %and3A, %sub3A_19, %div3A : i32
    %jit3A_20 = arith.constant 2 : i32
    %eq3A = arith.constant 0 : i32
    %eq3A_21 = arith.cmpi eq, %jit3A_20, %eq3A : i32
    %jit3A_22 = arith.constant 1 : i32
    %select_n3A_23 = arith.select %eq3A_21, %jit3A_22, %jit3A_20 : i32
    %rem3A_24 = arith.remsi %select_n3A, %select_n3A_23 : i32
    %ne3A_25 = arith.constant 0 : i32
    %ne3A_26 = arith.cmpi ne, %rem3A_24, %ne3A_25 : i32
    %lt3A = arith.constant 0 : i32
    %lt3A_27 = arith.cmpi slt, %rem3A_24, %lt3A : i32
    %lt3A_28 = arith.constant 0 : i32
    %lt3A_29 = arith.cmpi slt, %select_n3A_23, %lt3A_28 : i32
    %ne3A_30 = arith.xori %lt3A_27, %lt3A_29 : i1
    %and3A_31 = arith.andi %ne3A_30, %ne3A_26 : i1
    %add3A = arith.addi %rem3A_24, %select_n3A_23 : i32
    %select_n3A_32 = arith.select %and3A_31, %add3A, %rem3A_24 : i32
    %run_scoped3A = arith.constant 0 : i32
    "tpu.region"() ({
      %run_scoped3A_110 = tpu.sem_alloc : memref<!tpu.dma_semaphore, #tpu.memory_space<semaphore_mem>>
      %dma_start3A_111 = arith.constant 0 : i32
      %dma_start3A_112 = arith.constant 0 : i32
      %dma_start3A_113 = tpu.memref_slice %arg8[%select_n3A_32, %run_scoped3A, %dma_start3A_111, %dma_start3A_112] : memref<2x2x8x128xi32, #tpu.memory_space<vmem>> -> memref<1x1x8x128xi32, #tpu.memory_space<vmem>>
      %dma_start3A_114 = tpu.memref_squeeze %dma_start3A_113 : memref<1x1x8x128xi32, #tpu.memory_space<vmem>> -> memref<8x128xi32, #tpu.memory_space<vmem>>
      %dma_start3A_115 = arith.constant 0 : i32
      %dma_start3A_116 = arith.constant 0 : i32
      %dma_start3A_117 = tpu.memref_slice %arg3[%arg1, %select_n3A, %dma_start3A_115, %dma_start3A_116] : memref<16x20x8x128xi32, #tpu.memory_space<hbm>> -> memref<1x1x8x128xi32, #tpu.memory_space<hbm>>
      %dma_start3A_118 = tpu.memref_squeeze %dma_start3A_117 : memref<1x1x8x128xi32, #tpu.memory_space<hbm>> -> memref<8x128xi32, #tpu.memory_space<hbm>>
      %dma_start3A_119 = arith.constant 0 : i32
      %dma_start3A_120 = arith.constant 0 : i32
      %dma_start3A_121 = tpu.memref_slice %arg8[%select_n3A_32, %run_scoped3A, %dma_start3A_119, %dma_start3A_120] : memref<2x2x8x128xi32, #tpu.memory_space<vmem>> -> memref<1x1x8x128xi32, #tpu.memory_space<vmem>>
      %dma_start3A_122 = tpu.memref_squeeze %dma_start3A_121 : memref<1x1x8x128xi32, #tpu.memory_space<vmem>> -> memref<8x128xi32, #tpu.memory_space<vmem>>
      %dma_start3A_123 = arith.constant 0 : i32
      %dma_start3A_124 = arith.constant 0 : i32
      %dma_start3A_125 = tpu.memref_slice %arg3[%arg1, %select_n3A, %dma_start3A_123, %dma_start3A_124] : memref<16x20x8x128xi32, #tpu.memory_space<hbm>> -> memref<1x1x8x128xi32, #tpu.memory_space<hbm>>
      %dma_start3A_126 = tpu.memref_squeeze %dma_start3A_125 : memref<1x1x8x128xi32, #tpu.memory_space<hbm>> -> memref<8x128xi32, #tpu.memory_space<hbm>>
      tpu.enqueue_dma source(%dma_start3A_126 : memref<8x128xi32, #tpu.memory_space<hbm>>) target(%dma_start3A_122 : memref<8x128xi32, #tpu.memory_space<vmem>>) target_semaphore(%run_scoped3A_110 : memref<!tpu.dma_semaphore, #tpu.memory_space<semaphore_mem>>)
      %dma_wait3A_127 = arith.constant 0 : i32
      %dma_wait3A_128 = arith.constant 0 : i32
      %dma_wait3A_129 = tpu.memref_slice %arg8[%select_n3A_32, %run_scoped3A, %dma_wait3A_127, %dma_wait3A_128] : memref<2x2x8x128xi32, #tpu.memory_space<vmem>> -> memref<1x1x8x128xi32, #tpu.memory_space<vmem>>
      %dma_wait3A_130 = tpu.memref_squeeze %dma_wait3A_129 : memref<1x1x8x128xi32, #tpu.memory_space<vmem>> -> memref<8x128xi32, #tpu.memory_space<vmem>>
      %dma_wait3A_131 = arith.constant 0 : i32
      %dma_wait3A_132 = arith.constant 0 : i32
      %dma_wait3A_133 = tpu.memref_slice %arg3[%arg1, %select_n3A, %dma_wait3A_131, %dma_wait3A_132] : memref<16x20x8x128xi32, #tpu.memory_space<hbm>> -> memref<1x1x8x128xi32, #tpu.memory_space<hbm>>
      %dma_wait3A_134 = tpu.memref_squeeze %dma_wait3A_133 : memref<1x1x8x128xi32, #tpu.memory_space<hbm>> -> memref<8x128xi32, #tpu.memory_space<hbm>>
      %dma_wait3A_135 = arith.constant 0 : i32
      %dma_wait3A_136 = arith.constant 0 : i32
      %dma_wait3A_137 = tpu.memref_slice %arg8[%select_n3A_32, %run_scoped3A, %dma_wait3A_135, %dma_wait3A_136] : memref<2x2x8x128xi32, #tpu.memory_space<vmem>> -> memref<1x1x8x128xi32, #tpu.memory_space<vmem>>
      %dma_wait3A_138 = tpu.memref_squeeze %dma_wait3A_137 : memref<1x1x8x128xi32, #tpu.memory_space<vmem>> -> memref<8x128xi32, #tpu.memory_space<vmem>>
      %dma_wait3A_139 = arith.constant 0 : i32
      %dma_wait3A_140 = arith.constant 0 : i32
      %dma_wait3A_141 = tpu.memref_slice %arg3[%arg1, %select_n3A, %dma_wait3A_139, %dma_wait3A_140] : memref<16x20x8x128xi32, #tpu.memory_space<hbm>> -> memref<1x1x8x128xi32, #tpu.memory_space<hbm>>
      %dma_wait3A_142 = tpu.memref_squeeze %dma_wait3A_141 : memref<1x1x8x128xi32, #tpu.memory_space<hbm>> -> memref<8x128xi32, #tpu.memory_space<hbm>>
      tpu.wait_dma2 semaphore(%run_scoped3A_110 : memref<!tpu.dma_semaphore, #tpu.memory_space<semaphore_mem>>) src(%dma_wait3A_142 : memref<8x128xi32, #tpu.memory_space<hbm>>) dst(%dma_wait3A_138 : memref<8x128xi32, #tpu.memory_space<vmem>>)
      tpu.yield
    }) : () -> ()
    %jit3A_33 = arith.constant 2 : i32
    %eq3A_34 = arith.constant 0 : i32
    %eq3A_35 = arith.cmpi eq, %jit3A_33, %eq3A_34 : i32
    %jit3A_36 = arith.constant 1 : i32
    %select_n3A_37 = arith.select %eq3A_35, %jit3A_36, %jit3A_33 : i32
    %rem3A_38 = arith.remsi %select_n3A, %select_n3A_37 : i32
    %ne3A_39 = arith.constant 0 : i32
    %ne3A_40 = arith.cmpi ne, %rem3A_38, %ne3A_39 : i32
    %lt3A_41 = arith.constant 0 : i32
    %lt3A_42 = arith.cmpi slt, %rem3A_38, %lt3A_41 : i32
    %lt3A_43 = arith.constant 0 : i32
    %lt3A_44 = arith.cmpi slt, %select_n3A_37, %lt3A_43 : i32
    %ne3A_45 = arith.xori %lt3A_42, %lt3A_44 : i1
    %and3A_46 = arith.andi %ne3A_45, %ne3A_40 : i1
    %add3A_47 = arith.addi %rem3A_38, %select_n3A_37 : i32
    %select_n3A_48 = arith.select %and3A_46, %add3A_47, %rem3A_38 : i32
    %run_scoped3A_49 = arith.constant 1 : i32
    "tpu.region"() ({
      %run_scoped3A_110 = tpu.sem_alloc : memref<!tpu.dma_semaphore, #tpu.memory_space<semaphore_mem>>
      %dma_start3A_111 = arith.constant 0 : i32
      %dma_start3A_112 = arith.constant 0 : i32
      %dma_start3A_113 = tpu.memref_slice %arg8[%select_n3A_48, %run_scoped3A_49, %dma_start3A_111, %dma_start3A_112] : memref<2x2x8x128xi32, #tpu.memory_space<vmem>> -> memref<1x1x8x128xi32, #tpu.memory_space<vmem>>
      %dma_start3A_114 = tpu.memref_squeeze %dma_start3A_113 : memref<1x1x8x128xi32, #tpu.memory_space<vmem>> -> memref<8x128xi32, #tpu.memory_space<vmem>>
      %dma_start3A_115 = arith.constant 0 : i32
      %dma_start3A_116 = arith.constant 0 : i32
      %dma_start3A_117 = tpu.memref_slice %arg4[%arg1, %select_n3A, %dma_start3A_115, %dma_start3A_116] : memref<16x20x8x128xi32, #tpu.memory_space<hbm>> -> memref<1x1x8x128xi32, #tpu.memory_space<hbm>>
      %dma_start3A_118 = tpu.memref_squeeze %dma_start3A_117 : memref<1x1x8x128xi32, #tpu.memory_space<hbm>> -> memref<8x128xi32, #tpu.memory_space<hbm>>
      %dma_start3A_119 = arith.constant 0 : i32
      %dma_start3A_120 = arith.constant 0 : i32
      %dma_start3A_121 = tpu.memref_slice %arg8[%select_n3A_48, %run_scoped3A_49, %dma_start3A_119, %dma_start3A_120] : memref<2x2x8x128xi32, #tpu.memory_space<vmem>> -> memref<1x1x8x128xi32, #tpu.memory_space<vmem>>
      %dma_start3A_122 = tpu.memref_squeeze %dma_start3A_121 : memref<1x1x8x128xi32, #tpu.memory_space<vmem>> -> memref<8x128xi32, #tpu.memory_space<vmem>>
      %dma_start3A_123 = arith.constant 0 : i32
      %dma_start3A_124 = arith.constant 0 : i32
      %dma_start3A_125 = tpu.memref_slice %arg4[%arg1, %select_n3A, %dma_start3A_123, %dma_start3A_124] : memref<16x20x8x128xi32, #tpu.memory_space<hbm>> -> memref<1x1x8x128xi32, #tpu.memory_space<hbm>>
      %dma_start3A_126 = tpu.memref_squeeze %dma_start3A_125 : memref<1x1x8x128xi32, #tpu.memory_space<hbm>> -> memref<8x128xi32, #tpu.memory_space<hbm>>
      tpu.enqueue_dma source(%dma_start3A_126 : memref<8x128xi32, #tpu.memory_space<hbm>>) target(%dma_start3A_122 : memref<8x128xi32, #tpu.memory_space<vmem>>) target_semaphore(%run_scoped3A_110 : memref<!tpu.dma_semaphore, #tpu.memory_space<semaphore_mem>>)
      %dma_wait3A_127 = arith.constant 0 : i32
      %dma_wait3A_128 = arith.constant 0 : i32
      %dma_wait3A_129 = tpu.memref_slice %arg8[%select_n3A_48, %run_scoped3A_49, %dma_wait3A_127, %dma_wait3A_128] : memref<2x2x8x128xi32, #tpu.memory_space<vmem>> -> memref<1x1x8x128xi32, #tpu.memory_space<vmem>>
      %dma_wait3A_130 = tpu.memref_squeeze %dma_wait3A_129 : memref<1x1x8x128xi32, #tpu.memory_space<vmem>> -> memref<8x128xi32, #tpu.memory_space<vmem>>
      %dma_wait3A_131 = arith.constant 0 : i32
      %dma_wait3A_132 = arith.constant 0 : i32
      %dma_wait3A_133 = tpu.memref_slice %arg4[%arg1, %select_n3A, %dma_wait3A_131, %dma_wait3A_132] : memref<16x20x8x128xi32, #tpu.memory_space<hbm>> -> memref<1x1x8x128xi32, #tpu.memory_space<hbm>>
      %dma_wait3A_134 = tpu.memref_squeeze %dma_wait3A_133 : memref<1x1x8x128xi32, #tpu.memory_space<hbm>> -> memref<8x128xi32, #tpu.memory_space<hbm>>
      %dma_wait3A_135 = arith.constant 0 : i32
      %dma_wait3A_136 = arith.constant 0 : i32
      %dma_wait3A_137 = tpu.memref_slice %arg8[%select_n3A_48, %run_scoped3A_49, %dma_wait3A_135, %dma_wait3A_136] : memref<2x2x8x128xi32, #tpu.memory_space<vmem>> -> memref<1x1x8x128xi32, #tpu.memory_space<vmem>>
      %dma_wait3A_138 = tpu.memref_squeeze %dma_wait3A_137 : memref<1x1x8x128xi32, #tpu.memory_space<vmem>> -> memref<8x128xi32, #tpu.memory_space<vmem>>
      %dma_wait3A_139 = arith.constant 0 : i32
      %dma_wait3A_140 = arith.constant 0 : i32
      %dma_wait3A_141 = tpu.memref_slice %arg4[%arg1, %select_n3A, %dma_wait3A_139, %dma_wait3A_140] : memref<16x20x8x128xi32, #tpu.memory_space<hbm>> -> memref<1x1x8x128xi32, #tpu.memory_space<hbm>>
      %dma_wait3A_142 = tpu.memref_squeeze %dma_wait3A_141 : memref<1x1x8x128xi32, #tpu.memory_space<hbm>> -> memref<8x128xi32, #tpu.memory_space<hbm>>
      tpu.wait_dma2 semaphore(%run_scoped3A_110 : memref<!tpu.dma_semaphore, #tpu.memory_space<semaphore_mem>>) src(%dma_wait3A_142 : memref<8x128xi32, #tpu.memory_space<hbm>>) dst(%dma_wait3A_138 : memref<8x128xi32, #tpu.memory_space<vmem>>)
      tpu.yield
    }) : () -> ()
    %jit3A_50 = arith.constant 2 : i32
    %eq3A_51 = arith.constant 0 : i32
    %eq3A_52 = arith.cmpi eq, %jit3A_50, %eq3A_51 : i32
    %jit3A_53 = arith.constant 1 : i32
    %select_n3A_54 = arith.select %eq3A_52, %jit3A_53, %jit3A_50 : i32
    %rem3A_55 = arith.remsi %select_n3A, %select_n3A_54 : i32
    %ne3A_56 = arith.constant 0 : i32
    %ne3A_57 = arith.cmpi ne, %rem3A_55, %ne3A_56 : i32
    %lt3A_58 = arith.constant 0 : i32
    %lt3A_59 = arith.cmpi slt, %rem3A_55, %lt3A_58 : i32
    %lt3A_60 = arith.constant 0 : i32
    %lt3A_61 = arith.cmpi slt, %select_n3A_54, %lt3A_60 : i32
    %ne3A_62 = arith.xori %lt3A_59, %lt3A_61 : i1
    %and3A_63 = arith.andi %ne3A_62, %ne3A_57 : i1
    %add3A_64 = arith.addi %rem3A_55, %select_n3A_54 : i32
    %select_n3A_65 = arith.select %and3A_63, %add3A_64, %rem3A_55 : i32
    %dma_start3A_66 = arith.constant 0 : i32
    %dma_start3A_67 = arith.constant 0 : i32
    %dma_start3A_68 = arith.constant 0 : i32
    %dma_start3A_69 = arith.constant 0 : i32
    %dma_start3A_70 = arith.constant 0 : i32
    %dma_start3A_71 = tpu.memref_slice %arg9[%dma_start3A_68, %dma_start3A_69, %dma_start3A_70] : memref<2x128x128xf32, #tpu.memory_space<vmem>> -> memref<1x128x128xf32, #tpu.memory_space<vmem>>
    %dma_start3A_72 = tpu.memref_squeeze %dma_start3A_71 : memref<1x128x128xf32, #tpu.memory_space<vmem>> -> memref<128x128xf32, #tpu.memory_space<vmem>>
    %dma_start3A_73 = arith.constant 0 : i32
    %dma_start3A_74 = tpu.memref_slice %arg8[%select_n3A_65, %dma_start3A_66, %dma_start3A_67, %dma_start3A_73] : memref<2x2x8x128xi32, #tpu.memory_space<vmem>> -> memref<1x1x1x128xi32, #tpu.memory_space<vmem>>
    %dma_start3A_75 = tpu.memref_squeeze %dma_start3A_74 : memref<1x1x1x128xi32, #tpu.memory_space<vmem>> -> memref<128xi32, #tpu.memory_space<vmem>>
    %dma_start3A_76 = arith.constant 0 : i32
    %dma_start3A_77 = arith.constant 0 : i32
    %dma_start3A_78 = tpu.memref_slice %arg2[%dma_start3A_76, %dma_start3A_77] : memref<10240x128xf32, #tpu.memory_space<hbm>> -> memref<10240x128xf32, #tpu.memory_space<hbm>>
    tpu.enqueue_indirect_dma source(%dma_start3A_78 : memref<10240x128xf32, #tpu.memory_space<hbm>>) target(%dma_start3A_72 : memref<128x128xf32, #tpu.memory_space<vmem>>) offsets(%dma_start3A_75 : memref<128xi32, #tpu.memory_space<vmem>>) semaphore(%arg12 : memref<!tpu.dma_semaphore, #tpu.memory_space<semaphore_mem>>)
    %dma_wait3A = arith.constant 0 : i32
    %dma_wait3A_79 = tpu.memref_slice %arg10[%mul3A_0, %dma_wait3A] : memref<10240x128xf32, #tpu.memory_space<vmem_shared>> -> memref<640x128xf32, #tpu.memory_space<vmem_shared>>
    tpu.wait_dma2 semaphore(%arg14 : memref<!tpu.dma_semaphore, #tpu.memory_space<semaphore_mem>>) src(%arg5 : memref<640x128xf32, #tpu.memory_space<hbm>>) dst(%dma_wait3A_79 : memref<640x128xf32, #tpu.memory_space<vmem_shared>>)
    %barrier3A = arith.constant 0 : index
    tpu.barrier barrier_id(%barrier3A)
    %scan3A = arith.constant 0 : i32
    %scan3A_80 = arith.constant 0 : i32
    %scan3A_81 = arith.constant 80 : i32
    %scan3A_82 = arith.addi %scan3A_80, %scan3A_81 : i32
    %scan3A_83 = arith.constant 1 : i32
    scf.for %scan3A_110 = %scan3A_80 to %scan3A_82 step %scan3A_83  : i32 {
      %add3A_111 = arith.addi %mul3A_3, %scan3A_110 : i32
      %jit3A_112 = arith.constant 8 : i32
      %div3A_113 = arith.divsi %add3A_111, %jit3A_112 : i32
      %sign3A_114 = arith.constant 0 : i32
      %sign3A_115 = arith.cmpi sgt, %add3A_111, %sign3A_114 : i32
      %sign3A_116 = arith.extui %sign3A_115 : i1 to i32
      %sign3A_117 = arith.constant 0 : i32
      %sign3A_118 = arith.cmpi slt, %add3A_111, %sign3A_117 : i32
      %sign3A_119 = arith.extui %sign3A_118 : i1 to i32
      %sign3A_120 = arith.subi %sign3A_116, %sign3A_119 : i32
      %sign3A_121 = arith.constant 0 : i32
      %sign3A_122 = arith.cmpi sgt, %jit3A_112, %sign3A_121 : i32
      %sign3A_123 = arith.extui %sign3A_122 : i1 to i32
      %sign3A_124 = arith.constant 0 : i32
      %sign3A_125 = arith.cmpi slt, %jit3A_112, %sign3A_124 : i32
      %sign3A_126 = arith.extui %sign3A_125 : i1 to i32
      %sign3A_127 = arith.subi %sign3A_123, %sign3A_126 : i32
      %ne3A_128 = arith.cmpi ne, %sign3A_120, %sign3A_127 : i32
      %rem3A_129 = arith.remsi %add3A_111, %jit3A_112 : i32
      %ne3A_130 = arith.constant 0 : i32
      %ne3A_131 = arith.cmpi ne, %rem3A_129, %ne3A_130 : i32
      %and3A_132 = arith.andi %ne3A_128, %ne3A_131 : i1
      %sub3A_133 = arith.constant 1 : i32
      %sub3A_134 = arith.subi %div3A_113, %sub3A_133 : i32
      %select_n3A_135 = arith.select %and3A_132, %sub3A_134, %div3A_113 : i32
      %jit3A_136 = arith.constant 8 : i32
      %eq3A_137 = arith.constant 0 : i32
      %eq3A_138 = arith.cmpi eq, %jit3A_136, %eq3A_137 : i32
      %jit3A_139 = arith.constant 1 : i32
      %select_n3A_140 = arith.select %eq3A_138, %jit3A_139, %jit3A_136 : i32
      %rem3A_141 = arith.remsi %add3A_111, %select_n3A_140 : i32
      %ne3A_142 = arith.constant 0 : i32
      %ne3A_143 = arith.cmpi ne, %rem3A_141, %ne3A_142 : i32
      %lt3A_144 = arith.constant 0 : i32
      %lt3A_145 = arith.cmpi slt, %rem3A_141, %lt3A_144 : i32
      %lt3A_146 = arith.constant 0 : i32
      %lt3A_147 = arith.cmpi slt, %select_n3A_140, %lt3A_146 : i32
      %ne3A_148 = arith.xori %lt3A_145, %lt3A_147 : i1
      %and3A_149 = arith.andi %ne3A_148, %ne3A_143 : i1
      %add3A_150 = arith.addi %rem3A_141, %select_n3A_140 : i32
      %select_n3A_151 = arith.select %and3A_149, %add3A_150, %rem3A_141 : i32
      %jit3A_152 = arith.constant 2 : i32
      %eq3A_153 = arith.constant 0 : i32
      %eq3A_154 = arith.cmpi eq, %jit3A_152, %eq3A_153 : i32
      %jit3A_155 = arith.constant 1 : i32
      %select_n3A_156 = arith.select %eq3A_154, %jit3A_155, %jit3A_152 : i32
      %rem3A_157 = arith.remsi %scan3A_110, %select_n3A_156 : i32
      %ne3A_158 = arith.constant 0 : i32
      %ne3A_159 = arith.cmpi ne, %rem3A_157, %ne3A_158 : i32
      %lt3A_160 = arith.constant 0 : i32
      %lt3A_161 = arith.cmpi slt, %rem3A_157, %lt3A_160 : i32
      %lt3A_162 = arith.constant 0 : i32
      %lt3A_163 = arith.cmpi slt, %select_n3A_156, %lt3A_162 : i32
      %ne3A_164 = arith.xori %lt3A_161, %lt3A_163 : i1
      %and3A_165 = arith.andi %ne3A_164, %ne3A_159 : i1
      %add3A_166 = arith.addi %rem3A_157, %select_n3A_156 : i32
      %select_n3A_167 = arith.select %and3A_165, %add3A_166, %rem3A_157 : i32
      %gt3A = arith.constant 0 : i32
      %gt3A_168 = arith.cmpi sgt, %scan3A_110, %gt3A : i32
      %convert_element_type3A_169 = arith.extui %gt3A_168 : i1 to i32
      %cond3A_170 = arith.constant 0 : i32
      %cond3A_171 = arith.cmpi ne, %convert_element_type3A_169, %cond3A_170 : i32
      scf.if %cond3A_171 {
        %dma_wait3A_284 = arith.constant 0 : i32
        %dma_wait3A_285 = arith.constant 0 : i32
        %dma_wait3A_286 = arith.constant 1 : i32
        %dma_wait3A_287 = arith.constant 0 : i32
        %dma_wait3A_288 = arith.constant 0 : i32
        %dma_wait3A_289 = arith.constant 0 : i32
        %dma_wait3A_290 = tpu.memref_slice %arg9[%dma_wait3A_284, %dma_wait3A_288, %dma_wait3A_289] : memref<2x128x128xf32, #tpu.memory_space<vmem>> -> memref<1x128x128xf32, #tpu.memory_space<vmem>>
        %dma_wait3A_291 = tpu.memref_squeeze %dma_wait3A_290 : memref<1x128x128xf32, #tpu.memory_space<vmem>> -> memref<128x128xf32, #tpu.memory_space<vmem>>
        %dma_wait3A_292 = arith.constant 0 : i32
        %dma_wait3A_293 = tpu.memref_slice %arg8[%dma_wait3A_285, %dma_wait3A_286, %dma_wait3A_287, %dma_wait3A_292] : memref<2x2x8x128xi32, #tpu.memory_space<vmem>> -> memref<1x1x1x128xi32, #tpu.memory_space<vmem>>
        %dma_wait3A_294 = tpu.memref_squeeze %dma_wait3A_293 : memref<1x1x1x128xi32, #tpu.memory_space<vmem>> -> memref<128xi32, #tpu.memory_space<vmem>>
        %dma_wait3A_295 = arith.constant 0 : i32
        %dma_wait3A_296 = arith.constant 0 : i32
        %dma_wait3A_297 = tpu.memref_slice %arg10[%dma_wait3A_295, %dma_wait3A_296] : memref<10240x128xf32, #tpu.memory_space<vmem_shared>> -> memref<10240x128xf32, #tpu.memory_space<vmem_shared>>
        tpu.wait_indirect_dma semaphore(%arg13 : memref<!tpu.dma_semaphore, #tpu.memory_space<semaphore_mem>>) src(%dma_wait3A_291 : memref<128x128xf32, #tpu.memory_space<vmem>>) dst(%dma_wait3A_297 : memref<10240x128xf32, #tpu.memory_space<vmem_shared>>)
      } else {
      }
      %eq3A_172 = arith.constant 0 : i32
      %eq3A_173 = arith.cmpi eq, %select_n3A_151, %eq3A_172 : i32
      %add3A_174 = arith.constant 8 : i32
      %add3A_175 = arith.addi %scan3A_110, %add3A_174 : i32
      %lt3A_176 = arith.constant 80 : i32
      %lt3A_177 = arith.cmpi slt, %add3A_175, %lt3A_176 : i32
      %and3A_178 = arith.andi %eq3A_173, %lt3A_177 : i1
      %convert_element_type3A_179 = arith.extui %and3A_178 : i1 to i32
      %cond3A_180 = arith.constant 0 : i32
      %cond3A_181 = arith.cmpi ne, %convert_element_type3A_179, %cond3A_180 : i32
      scf.if %cond3A_181 {
        %add3A_284 = arith.constant 1 : i32
        %add3A_285 = arith.addi %select_n3A_135, %add3A_284 : i32
        %add3A_286 = arith.constant 1 : i32
        %add3A_287 = arith.addi %select_n3A_135, %add3A_286 : i32
        %jit3A_288 = arith.constant 2 : i32
        %eq3A_289 = arith.constant 0 : i32
        %eq3A_290 = arith.cmpi eq, %jit3A_288, %eq3A_289 : i32
        %jit3A_291 = arith.constant 1 : i32
        %select_n3A_292 = arith.select %eq3A_290, %jit3A_291, %jit3A_288 : i32
        %rem3A_293 = arith.remsi %add3A_287, %select_n3A_292 : i32
        %ne3A_294 = arith.constant 0 : i32
        %ne3A_295 = arith.cmpi ne, %rem3A_293, %ne3A_294 : i32
        %lt3A_296 = arith.constant 0 : i32
        %lt3A_297 = arith.cmpi slt, %rem3A_293, %lt3A_296 : i32
        %lt3A_298 = arith.constant 0 : i32
        %lt3A_299 = arith.cmpi slt, %select_n3A_292, %lt3A_298 : i32
        %ne3A_300 = arith.xori %lt3A_297, %lt3A_299 : i1
        %and3A_301 = arith.andi %ne3A_300, %ne3A_295 : i1
        %add3A_302 = arith.addi %rem3A_293, %select_n3A_292 : i32
        %select_n3A_303 = arith.select %and3A_301, %add3A_302, %rem3A_293 : i32
        %dma_start3A_304 = arith.constant 0 : i32
        %dma_start3A_305 = arith.constant 0 : i32
        %dma_start3A_306 = arith.constant 0 : i32
        %dma_start3A_307 = tpu.memref_slice %arg8[%select_n3A_303, %dma_start3A_304, %dma_start3A_305, %dma_start3A_306] : memref<2x2x8x128xi32, #tpu.memory_space<vmem>> -> memref<1x1x8x128xi32, #tpu.memory_space<vmem>>
        %dma_start3A_308 = tpu.memref_squeeze %dma_start3A_307 : memref<1x1x8x128xi32, #tpu.memory_space<vmem>> -> memref<8x128xi32, #tpu.memory_space<vmem>>
        %dma_start3A_309 = arith.constant 0 : i32
        %dma_start3A_310 = arith.constant 0 : i32
        %dma_start3A_311 = tpu.memref_slice %arg3[%arg1, %add3A_285, %dma_start3A_309, %dma_start3A_310] : memref<16x20x8x128xi32, #tpu.memory_space<hbm>> -> memref<1x1x8x128xi32, #tpu.memory_space<hbm>>
        %dma_start3A_312 = tpu.memref_squeeze %dma_start3A_311 : memref<1x1x8x128xi32, #tpu.memory_space<hbm>> -> memref<8x128xi32, #tpu.memory_space<hbm>>
        %dma_start3A_313 = arith.constant 0 : i32
        %dma_start3A_314 = arith.constant 0 : i32
        %dma_start3A_315 = tpu.memref_slice %arg8[%select_n3A_303, %dma_start3A_304, %dma_start3A_313, %dma_start3A_314] : memref<2x2x8x128xi32, #tpu.memory_space<vmem>> -> memref<1x1x8x128xi32, #tpu.memory_space<vmem>>
        %dma_start3A_316 = tpu.memref_squeeze %dma_start3A_315 : memref<1x1x8x128xi32, #tpu.memory_space<vmem>> -> memref<8x128xi32, #tpu.memory_space<vmem>>
        %dma_start3A_317 = arith.constant 0 : i32
        %dma_start3A_318 = arith.constant 0 : i32
        %dma_start3A_319 = tpu.memref_slice %arg3[%arg1, %add3A_285, %dma_start3A_317, %dma_start3A_318] : memref<16x20x8x128xi32, #tpu.memory_space<hbm>> -> memref<1x1x8x128xi32, #tpu.memory_space<hbm>>
        %dma_start3A_320 = tpu.memref_squeeze %dma_start3A_319 : memref<1x1x8x128xi32, #tpu.memory_space<hbm>> -> memref<8x128xi32, #tpu.memory_space<hbm>>
        tpu.enqueue_dma source(%dma_start3A_320 : memref<8x128xi32, #tpu.memory_space<hbm>>) target(%dma_start3A_316 : memref<8x128xi32, #tpu.memory_space<vmem>>) target_semaphore(%arg11 : memref<!tpu.dma_semaphore, #tpu.memory_space<semaphore_mem>>)
        %add3A_321 = arith.constant 1 : i32
        %add3A_322 = arith.addi %select_n3A_135, %add3A_321 : i32
        %add3A_323 = arith.constant 1 : i32
        %add3A_324 = arith.addi %select_n3A_135, %add3A_323 : i32
        %jit3A_325 = arith.constant 2 : i32
        %eq3A_326 = arith.constant 0 : i32
        %eq3A_327 = arith.cmpi eq, %jit3A_325, %eq3A_326 : i32
        %jit3A_328 = arith.constant 1 : i32
        %select_n3A_329 = arith.select %eq3A_327, %jit3A_328, %jit3A_325 : i32
        %rem3A_330 = arith.remsi %add3A_324, %select_n3A_329 : i32
        %ne3A_331 = arith.constant 0 : i32
        %ne3A_332 = arith.cmpi ne, %rem3A_330, %ne3A_331 : i32
        %lt3A_333 = arith.constant 0 : i32
        %lt3A_334 = arith.cmpi slt, %rem3A_330, %lt3A_333 : i32
        %lt3A_335 = arith.constant 0 : i32
        %lt3A_336 = arith.cmpi slt, %select_n3A_329, %lt3A_335 : i32
        %ne3A_337 = arith.xori %lt3A_334, %lt3A_336 : i1
        %and3A_338 = arith.andi %ne3A_337, %ne3A_332 : i1
        %add3A_339 = arith.addi %rem3A_330, %select_n3A_329 : i32
        %select_n3A_340 = arith.select %and3A_338, %add3A_339, %rem3A_330 : i32
        %dma_start3A_341 = arith.constant 1 : i32
        %dma_start3A_342 = arith.constant 0 : i32
        %dma_start3A_343 = arith.constant 0 : i32
        %dma_start3A_344 = tpu.memref_slice %arg8[%select_n3A_340, %dma_start3A_341, %dma_start3A_342, %dma_start3A_343] : memref<2x2x8x128xi32, #tpu.memory_space<vmem>> -> memref<1x1x8x128xi32, #tpu.memory_space<vmem>>
        %dma_start3A_345 = tpu.memref_squeeze %dma_start3A_344 : memref<1x1x8x128xi32, #tpu.memory_space<vmem>> -> memref<8x128xi32, #tpu.memory_space<vmem>>
        %dma_start3A_346 = arith.constant 0 : i32
        %dma_start3A_347 = arith.constant 0 : i32
        %dma_start3A_348 = tpu.memref_slice %arg4[%arg1, %add3A_322, %dma_start3A_346, %dma_start3A_347] : memref<16x20x8x128xi32, #tpu.memory_space<hbm>> -> memref<1x1x8x128xi32, #tpu.memory_space<hbm>>
        %dma_start3A_349 = tpu.memref_squeeze %dma_start3A_348 : memref<1x1x8x128xi32, #tpu.memory_space<hbm>> -> memref<8x128xi32, #tpu.memory_space<hbm>>
        %dma_start3A_350 = arith.constant 0 : i32
        %dma_start3A_351 = arith.constant 0 : i32
        %dma_start3A_352 = tpu.memref_slice %arg8[%select_n3A_340, %dma_start3A_341, %dma_start3A_350, %dma_start3A_351] : memref<2x2x8x128xi32, #tpu.memory_space<vmem>> -> memref<1x1x8x128xi32, #tpu.memory_space<vmem>>
        %dma_start3A_353 = tpu.memref_squeeze %dma_start3A_352 : memref<1x1x8x128xi32, #tpu.memory_space<vmem>> -> memref<8x128xi32, #tpu.memory_space<vmem>>
        %dma_start3A_354 = arith.constant 0 : i32
        %dma_start3A_355 = arith.constant 0 : i32
        %dma_start3A_356 = tpu.memref_slice %arg4[%arg1, %add3A_322, %dma_start3A_354, %dma_start3A_355] : memref<16x20x8x128xi32, #tpu.memory_space<hbm>> -> memref<1x1x8x128xi32, #tpu.memory_space<hbm>>
        %dma_start3A_357 = tpu.memref_squeeze %dma_start3A_356 : memref<1x1x8x128xi32, #tpu.memory_space<hbm>> -> memref<8x128xi32, #tpu.memory_space<hbm>>
        tpu.enqueue_dma source(%dma_start3A_357 : memref<8x128xi32, #tpu.memory_space<hbm>>) target(%dma_start3A_353 : memref<8x128xi32, #tpu.memory_space<vmem>>) target_semaphore(%arg11 : memref<!tpu.dma_semaphore, #tpu.memory_space<semaphore_mem>>)
      } else {
      }
      %add3A_182 = arith.constant 1 : i32
      %add3A_183 = arith.addi %scan3A_110, %add3A_182 : i32
      %add3A_184 = arith.addi %mul3A_3, %add3A_183 : i32
      %jit3A_185 = arith.constant 8 : i32
      %div3A_186 = arith.divsi %add3A_184, %jit3A_185 : i32
      %sign3A_187 = arith.constant 0 : i32
      %sign3A_188 = arith.cmpi sgt, %add3A_184, %sign3A_187 : i32
      %sign3A_189 = arith.extui %sign3A_188 : i1 to i32
      %sign3A_190 = arith.constant 0 : i32
      %sign3A_191 = arith.cmpi slt, %add3A_184, %sign3A_190 : i32
      %sign3A_192 = arith.extui %sign3A_191 : i1 to i32
      %sign3A_193 = arith.subi %sign3A_189, %sign3A_192 : i32
      %sign3A_194 = arith.constant 0 : i32
      %sign3A_195 = arith.cmpi sgt, %jit3A_185, %sign3A_194 : i32
      %sign3A_196 = arith.extui %sign3A_195 : i1 to i32
      %sign3A_197 = arith.constant 0 : i32
      %sign3A_198 = arith.cmpi slt, %jit3A_185, %sign3A_197 : i32
      %sign3A_199 = arith.extui %sign3A_198 : i1 to i32
      %sign3A_200 = arith.subi %sign3A_196, %sign3A_199 : i32
      %ne3A_201 = arith.cmpi ne, %sign3A_193, %sign3A_200 : i32
      %rem3A_202 = arith.remsi %add3A_184, %jit3A_185 : i32
      %ne3A_203 = arith.constant 0 : i32
      %ne3A_204 = arith.cmpi ne, %rem3A_202, %ne3A_203 : i32
      %and3A_205 = arith.andi %ne3A_201, %ne3A_204 : i1
      %sub3A_206 = arith.constant 1 : i32
      %sub3A_207 = arith.subi %div3A_186, %sub3A_206 : i32
      %select_n3A_208 = arith.select %and3A_205, %sub3A_207, %div3A_186 : i32
      %jit3A_209 = arith.constant 8 : i32
      %eq3A_210 = arith.constant 0 : i32
      %eq3A_211 = arith.cmpi eq, %jit3A_209, %eq3A_210 : i32
      %jit3A_212 = arith.constant 1 : i32
      %select_n3A_213 = arith.select %eq3A_211, %jit3A_212, %jit3A_209 : i32
      %rem3A_214 = arith.remsi %add3A_184, %select_n3A_213 : i32
      %ne3A_215 = arith.constant 0 : i32
      %ne3A_216 = arith.cmpi ne, %rem3A_214, %ne3A_215 : i32
      %lt3A_217 = arith.constant 0 : i32
      %lt3A_218 = arith.cmpi slt, %rem3A_214, %lt3A_217 : i32
      %lt3A_219 = arith.constant 0 : i32
      %lt3A_220 = arith.cmpi slt, %select_n3A_213, %lt3A_219 : i32
      %ne3A_221 = arith.xori %lt3A_218, %lt3A_220 : i1
      %and3A_222 = arith.andi %ne3A_221, %ne3A_216 : i1
      %add3A_223 = arith.addi %rem3A_214, %select_n3A_213 : i32
      %select_n3A_224 = arith.select %and3A_222, %add3A_223, %rem3A_214 : i32
      %lt3A_225 = arith.constant 80 : i32
      %lt3A_226 = arith.cmpi slt, %add3A_183, %lt3A_225 : i32
      %convert_element_type3A_227 = arith.extui %lt3A_226 : i1 to i32
      %cond3A_228 = arith.constant 0 : i32
      %cond3A_229 = arith.cmpi ne, %convert_element_type3A_227, %cond3A_228 : i32
      scf.if %cond3A_229 {
        %eq3A_284 = arith.constant 0 : i32
        %eq3A_285 = arith.cmpi eq, %select_n3A_224, %eq3A_284 : i32
        %ge3A = arith.constant 8 : i32
        %ge3A_286 = arith.cmpi sge, %add3A_183, %ge3A : i32
        %and3A_287 = arith.andi %eq3A_285, %ge3A_286 : i1
        %convert_element_type3A_288 = arith.extui %and3A_287 : i1 to i32
        %cond3A_289 = arith.constant 0 : i32
        %cond3A_290 = arith.cmpi ne, %convert_element_type3A_288, %cond3A_289 : i32
        scf.if %cond3A_290 {
          %jit3A_334 = arith.constant 2 : i32
          %eq3A_335 = arith.constant 0 : i32
          %eq3A_336 = arith.cmpi eq, %jit3A_334, %eq3A_335 : i32
          %jit3A_337 = arith.constant 1 : i32
          %select_n3A_338 = arith.select %eq3A_336, %jit3A_337, %jit3A_334 : i32
          %rem3A_339 = arith.remsi %select_n3A_208, %select_n3A_338 : i32
          %ne3A_340 = arith.constant 0 : i32
          %ne3A_341 = arith.cmpi ne, %rem3A_339, %ne3A_340 : i32
          %lt3A_342 = arith.constant 0 : i32
          %lt3A_343 = arith.cmpi slt, %rem3A_339, %lt3A_342 : i32
          %lt3A_344 = arith.constant 0 : i32
          %lt3A_345 = arith.cmpi slt, %select_n3A_338, %lt3A_344 : i32
          %ne3A_346 = arith.xori %lt3A_343, %lt3A_345 : i1
          %and3A_347 = arith.andi %ne3A_346, %ne3A_341 : i1
          %add3A_348 = arith.addi %rem3A_339, %select_n3A_338 : i32
          %select_n3A_349 = arith.select %and3A_347, %add3A_348, %rem3A_339 : i32
          %dma_wait3A_350 = arith.constant 0 : i32
          %dma_wait3A_351 = arith.constant 0 : i32
          %dma_wait3A_352 = arith.constant 0 : i32
          %dma_wait3A_353 = tpu.memref_slice %arg8[%select_n3A_349, %dma_wait3A_350, %dma_wait3A_351, %dma_wait3A_352] : memref<2x2x8x128xi32, #tpu.memory_space<vmem>> -> memref<1x1x8x128xi32, #tpu.memory_space<vmem>>
          %dma_wait3A_354 = tpu.memref_squeeze %dma_wait3A_353 : memref<1x1x8x128xi32, #tpu.memory_space<vmem>> -> memref<8x128xi32, #tpu.memory_space<vmem>>
          %dma_wait3A_355 = arith.constant 0 : i32
          %dma_wait3A_356 = arith.constant 0 : i32
          %dma_wait3A_357 = tpu.memref_slice %arg3[%arg1, %select_n3A_208, %dma_wait3A_355, %dma_wait3A_356] : memref<16x20x8x128xi32, #tpu.memory_space<hbm>> -> memref<1x1x8x128xi32, #tpu.memory_space<hbm>>
          %dma_wait3A_358 = tpu.memref_squeeze %dma_wait3A_357 : memref<1x1x8x128xi32, #tpu.memory_space<hbm>> -> memref<8x128xi32, #tpu.memory_space<hbm>>
          %dma_wait3A_359 = arith.constant 0 : i32
          %dma_wait3A_360 = arith.constant 0 : i32
          %dma_wait3A_361 = tpu.memref_slice %arg8[%select_n3A_349, %dma_wait3A_350, %dma_wait3A_359, %dma_wait3A_360] : memref<2x2x8x128xi32, #tpu.memory_space<vmem>> -> memref<1x1x8x128xi32, #tpu.memory_space<vmem>>
          %dma_wait3A_362 = tpu.memref_squeeze %dma_wait3A_361 : memref<1x1x8x128xi32, #tpu.memory_space<vmem>> -> memref<8x128xi32, #tpu.memory_space<vmem>>
          %dma_wait3A_363 = arith.constant 0 : i32
          %dma_wait3A_364 = arith.constant 0 : i32
          %dma_wait3A_365 = tpu.memref_slice %arg3[%arg1, %select_n3A_208, %dma_wait3A_363, %dma_wait3A_364] : memref<16x20x8x128xi32, #tpu.memory_space<hbm>> -> memref<1x1x8x128xi32, #tpu.memory_space<hbm>>
          %dma_wait3A_366 = tpu.memref_squeeze %dma_wait3A_365 : memref<1x1x8x128xi32, #tpu.memory_space<hbm>> -> memref<8x128xi32, #tpu.memory_space<hbm>>
          tpu.wait_dma2 semaphore(%arg11 : memref<!tpu.dma_semaphore, #tpu.memory_space<semaphore_mem>>) src(%dma_wait3A_366 : memref<8x128xi32, #tpu.memory_space<hbm>>) dst(%dma_wait3A_362 : memref<8x128xi32, #tpu.memory_space<vmem>>)
          %jit3A_367 = arith.constant 2 : i32
          %eq3A_368 = arith.constant 0 : i32
          %eq3A_369 = arith.cmpi eq, %jit3A_367, %eq3A_368 : i32
          %jit3A_370 = arith.constant 1 : i32
          %select_n3A_371 = arith.select %eq3A_369, %jit3A_370, %jit3A_367 : i32
          %rem3A_372 = arith.remsi %select_n3A_208, %select_n3A_371 : i32
          %ne3A_373 = arith.constant 0 : i32
          %ne3A_374 = arith.cmpi ne, %rem3A_372, %ne3A_373 : i32
          %lt3A_375 = arith.constant 0 : i32
          %lt3A_376 = arith.cmpi slt, %rem3A_372, %lt3A_375 : i32
          %lt3A_377 = arith.constant 0 : i32
          %lt3A_378 = arith.cmpi slt, %select_n3A_371, %lt3A_377 : i32
          %ne3A_379 = arith.xori %lt3A_376, %lt3A_378 : i1
          %and3A_380 = arith.andi %ne3A_379, %ne3A_374 : i1
          %add3A_381 = arith.addi %rem3A_372, %select_n3A_371 : i32
          %select_n3A_382 = arith.select %and3A_380, %add3A_381, %rem3A_372 : i32
          %dma_wait3A_383 = arith.constant 1 : i32
          %dma_wait3A_384 = arith.constant 0 : i32
          %dma_wait3A_385 = arith.constant 0 : i32
          %dma_wait3A_386 = tpu.memref_slice %arg8[%select_n3A_382, %dma_wait3A_383, %dma_wait3A_384, %dma_wait3A_385] : memref<2x2x8x128xi32, #tpu.memory_space<vmem>> -> memref<1x1x8x128xi32, #tpu.memory_space<vmem>>
          %dma_wait3A_387 = tpu.memref_squeeze %dma_wait3A_386 : memref<1x1x8x128xi32, #tpu.memory_space<vmem>> -> memref<8x128xi32, #tpu.memory_space<vmem>>
          %dma_wait3A_388 = arith.constant 0 : i32
          %dma_wait3A_389 = arith.constant 0 : i32
          %dma_wait3A_390 = tpu.memref_slice %arg4[%arg1, %select_n3A_208, %dma_wait3A_388, %dma_wait3A_389] : memref<16x20x8x128xi32, #tpu.memory_space<hbm>> -> memref<1x1x8x128xi32, #tpu.memory_space<hbm>>
          %dma_wait3A_391 = tpu.memref_squeeze %dma_wait3A_390 : memref<1x1x8x128xi32, #tpu.memory_space<hbm>> -> memref<8x128xi32, #tpu.memory_space<hbm>>
          %dma_wait3A_392 = arith.constant 0 : i32
          %dma_wait3A_393 = arith.constant 0 : i32
          %dma_wait3A_394 = tpu.memref_slice %arg8[%select_n3A_382, %dma_wait3A_383, %dma_wait3A_392, %dma_wait3A_393] : memref<2x2x8x128xi32, #tpu.memory_space<vmem>> -> memref<1x1x8x128xi32, #tpu.memory_space<vmem>>
          %dma_wait3A_395 = tpu.memref_squeeze %dma_wait3A_394 : memref<1x1x8x128xi32, #tpu.memory_space<vmem>> -> memref<8x128xi32, #tpu.memory_space<vmem>>
          %dma_wait3A_396 = arith.constant 0 : i32
          %dma_wait3A_397 = arith.constant 0 : i32
          %dma_wait3A_398 = tpu.memref_slice %arg4[%arg1, %select_n3A_208, %dma_wait3A_396, %dma_wait3A_397] : memref<16x20x8x128xi32, #tpu.memory_space<hbm>> -> memref<1x1x8x128xi32, #tpu.memory_space<hbm>>
          %dma_wait3A_399 = tpu.memref_squeeze %dma_wait3A_398 : memref<1x1x8x128xi32, #tpu.memory_space<hbm>> -> memref<8x128xi32, #tpu.memory_space<hbm>>
          tpu.wait_dma2 semaphore(%arg11 : memref<!tpu.dma_semaphore, #tpu.memory_space<semaphore_mem>>) src(%dma_wait3A_399 : memref<8x128xi32, #tpu.memory_space<hbm>>) dst(%dma_wait3A_395 : memref<8x128xi32, #tpu.memory_space<vmem>>)
        } else {
        }
        %jit3A_291 = arith.constant 2 : i32
        %eq3A_292 = arith.constant 0 : i32
        %eq3A_293 = arith.cmpi eq, %jit3A_291, %eq3A_292 : i32
        %jit3A_294 = arith.constant 1 : i32
        %select_n3A_295 = arith.select %eq3A_293, %jit3A_294, %jit3A_291 : i32
        %rem3A_296 = arith.remsi %add3A_183, %select_n3A_295 : i32
        %ne3A_297 = arith.constant 0 : i32
        %ne3A_298 = arith.cmpi ne, %rem3A_296, %ne3A_297 : i32
        %lt3A_299 = arith.constant 0 : i32
        %lt3A_300 = arith.cmpi slt, %rem3A_296, %lt3A_299 : i32
        %lt3A_301 = arith.constant 0 : i32
        %lt3A_302 = arith.cmpi slt, %select_n3A_295, %lt3A_301 : i32
        %ne3A_303 = arith.xori %lt3A_300, %lt3A_302 : i1
        %and3A_304 = arith.andi %ne3A_303, %ne3A_298 : i1
        %add3A_305 = arith.addi %rem3A_296, %select_n3A_295 : i32
        %select_n3A_306 = arith.select %and3A_304, %add3A_305, %rem3A_296 : i32
        %jit3A_307 = arith.constant 2 : i32
        %eq3A_308 = arith.constant 0 : i32
        %eq3A_309 = arith.cmpi eq, %jit3A_307, %eq3A_308 : i32
        %jit3A_310 = arith.constant 1 : i32
        %select_n3A_311 = arith.select %eq3A_309, %jit3A_310, %jit3A_307 : i32
        %rem3A_312 = arith.remsi %select_n3A_208, %select_n3A_311 : i32
        %ne3A_313 = arith.constant 0 : i32
        %ne3A_314 = arith.cmpi ne, %rem3A_312, %ne3A_313 : i32
        %lt3A_315 = arith.constant 0 : i32
        %lt3A_316 = arith.cmpi slt, %rem3A_312, %lt3A_315 : i32
        %lt3A_317 = arith.constant 0 : i32
        %lt3A_318 = arith.cmpi slt, %select_n3A_311, %lt3A_317 : i32
        %ne3A_319 = arith.xori %lt3A_316, %lt3A_318 : i1
        %and3A_320 = arith.andi %ne3A_319, %ne3A_314 : i1
        %add3A_321 = arith.addi %rem3A_312, %select_n3A_311 : i32
        %select_n3A_322 = arith.select %and3A_320, %add3A_321, %rem3A_312 : i32
        %dma_start3A_323 = arith.constant 0 : i32
        %dma_start3A_324 = arith.constant 0 : i32
        %dma_start3A_325 = arith.constant 0 : i32
        %dma_start3A_326 = tpu.memref_slice %arg9[%select_n3A_306, %dma_start3A_324, %dma_start3A_325] : memref<2x128x128xf32, #tpu.memory_space<vmem>> -> memref<1x128x128xf32, #tpu.memory_space<vmem>>
        %dma_start3A_327 = tpu.memref_squeeze %dma_start3A_326 : memref<1x128x128xf32, #tpu.memory_space<vmem>> -> memref<128x128xf32, #tpu.memory_space<vmem>>
        %dma_start3A_328 = arith.constant 0 : i32
        %dma_start3A_329 = tpu.memref_slice %arg8[%select_n3A_322, %dma_start3A_323, %select_n3A_224, %dma_start3A_328] : memref<2x2x8x128xi32, #tpu.memory_space<vmem>> -> memref<1x1x1x128xi32, #tpu.memory_space<vmem>>
        %dma_start3A_330 = tpu.memref_squeeze %dma_start3A_329 : memref<1x1x1x128xi32, #tpu.memory_space<vmem>> -> memref<128xi32, #tpu.memory_space<vmem>>
        %dma_start3A_331 = arith.constant 0 : i32
        %dma_start3A_332 = arith.constant 0 : i32
        %dma_start3A_333 = tpu.memref_slice %arg2[%dma_start3A_331, %dma_start3A_332] : memref<10240x128xf32, #tpu.memory_space<hbm>> -> memref<10240x128xf32, #tpu.memory_space<hbm>>
        tpu.enqueue_indirect_dma source(%dma_start3A_333 : memref<10240x128xf32, #tpu.memory_space<hbm>>) target(%dma_start3A_327 : memref<128x128xf32, #tpu.memory_space<vmem>>) offsets(%dma_start3A_330 : memref<128xi32, #tpu.memory_space<vmem>>) semaphore(%arg12 : memref<!tpu.dma_semaphore, #tpu.memory_space<semaphore_mem>>)
      } else {
      }
      %jit3A_230 = arith.constant 2 : i32
      %eq3A_231 = arith.constant 0 : i32
      %eq3A_232 = arith.cmpi eq, %jit3A_230, %eq3A_231 : i32
      %jit3A_233 = arith.constant 1 : i32
      %select_n3A_234 = arith.select %eq3A_232, %jit3A_233, %jit3A_230 : i32
      %rem3A_235 = arith.remsi %select_n3A_135, %select_n3A_234 : i32
      %ne3A_236 = arith.constant 0 : i32
      %ne3A_237 = arith.cmpi ne, %rem3A_235, %ne3A_236 : i32
      %lt3A_238 = arith.constant 0 : i32
      %lt3A_239 = arith.cmpi slt, %rem3A_235, %lt3A_238 : i32
      %lt3A_240 = arith.constant 0 : i32
      %lt3A_241 = arith.cmpi slt, %select_n3A_234, %lt3A_240 : i32
      %ne3A_242 = arith.xori %lt3A_239, %lt3A_241 : i1
      %and3A_243 = arith.andi %ne3A_242, %ne3A_237 : i1
      %add3A_244 = arith.addi %rem3A_235, %select_n3A_234 : i32
      %select_n3A_245 = arith.select %and3A_243, %add3A_244, %rem3A_235 : i32
      %dma_wait3A_246 = arith.constant 0 : i32
      %dma_wait3A_247 = arith.constant 0 : i32
      %dma_wait3A_248 = arith.constant 0 : i32
      %dma_wait3A_249 = tpu.memref_slice %arg9[%select_n3A_167, %dma_wait3A_247, %dma_wait3A_248] : memref<2x128x128xf32, #tpu.memory_space<vmem>> -> memref<1x128x128xf32, #tpu.memory_space<vmem>>
      %dma_wait3A_250 = tpu.memref_squeeze %dma_wait3A_249 : memref<1x128x128xf32, #tpu.memory_space<vmem>> -> memref<128x128xf32, #tpu.memory_space<vmem>>
      %dma_wait3A_251 = arith.constant 0 : i32
      %dma_wait3A_252 = tpu.memref_slice %arg8[%select_n3A_245, %dma_wait3A_246, %select_n3A_151, %dma_wait3A_251] : memref<2x2x8x128xi32, #tpu.memory_space<vmem>> -> memref<1x1x1x128xi32, #tpu.memory_space<vmem>>
      %dma_wait3A_253 = tpu.memref_squeeze %dma_wait3A_252 : memref<1x1x1x128xi32, #tpu.memory_space<vmem>> -> memref<128xi32, #tpu.memory_space<vmem>>
      %dma_wait3A_254 = arith.constant 0 : i32
      %dma_wait3A_255 = arith.constant 0 : i32
      %dma_wait3A_256 = tpu.memref_slice %arg2[%dma_wait3A_254, %dma_wait3A_255] : memref<10240x128xf32, #tpu.memory_space<hbm>> -> memref<10240x128xf32, #tpu.memory_space<hbm>>
      tpu.wait_indirect_dma semaphore(%arg12 : memref<!tpu.dma_semaphore, #tpu.memory_space<semaphore_mem>>) src(%dma_wait3A_256 : memref<10240x128xf32, #tpu.memory_space<hbm>>) dst(%dma_wait3A_250 : memref<128x128xf32, #tpu.memory_space<vmem>>)
      %jit3A_257 = arith.constant 2 : i32
      %eq3A_258 = arith.constant 0 : i32
      %eq3A_259 = arith.cmpi eq, %jit3A_257, %eq3A_258 : i32
      %jit3A_260 = arith.constant 1 : i32
      %select_n3A_261 = arith.select %eq3A_259, %jit3A_260, %jit3A_257 : i32
      %rem3A_262 = arith.remsi %select_n3A_135, %select_n3A_261 : i32
      %ne3A_263 = arith.constant 0 : i32
      %ne3A_264 = arith.cmpi ne, %rem3A_262, %ne3A_263 : i32
      %lt3A_265 = arith.constant 0 : i32
      %lt3A_266 = arith.cmpi slt, %rem3A_262, %lt3A_265 : i32
      %lt3A_267 = arith.constant 0 : i32
      %lt3A_268 = arith.cmpi slt, %select_n3A_261, %lt3A_267 : i32
      %ne3A_269 = arith.xori %lt3A_266, %lt3A_268 : i1
      %and3A_270 = arith.andi %ne3A_269, %ne3A_264 : i1
      %add3A_271 = arith.addi %rem3A_262, %select_n3A_261 : i32
      %select_n3A_272 = arith.select %and3A_270, %add3A_271, %rem3A_262 : i32
      %dma_start3A_273 = arith.constant 1 : i32
      %dma_start3A_274 = arith.constant 0 : i32
      %dma_start3A_275 = arith.constant 0 : i32
      %dma_start3A_276 = tpu.memref_slice %arg9[%select_n3A_167, %dma_start3A_274, %dma_start3A_275] : memref<2x128x128xf32, #tpu.memory_space<vmem>> -> memref<1x128x128xf32, #tpu.memory_space<vmem>>
      %dma_start3A_277 = tpu.memref_squeeze %dma_start3A_276 : memref<1x128x128xf32, #tpu.memory_space<vmem>> -> memref<128x128xf32, #tpu.memory_space<vmem>>
      %dma_start3A_278 = arith.constant 0 : i32
      %dma_start3A_279 = tpu.memref_slice %arg8[%select_n3A_272, %dma_start3A_273, %select_n3A_151, %dma_start3A_278] : memref<2x2x8x128xi32, #tpu.memory_space<vmem>> -> memref<1x1x1x128xi32, #tpu.memory_space<vmem>>
      %dma_start3A_280 = tpu.memref_squeeze %dma_start3A_279 : memref<1x1x1x128xi32, #tpu.memory_space<vmem>> -> memref<128xi32, #tpu.memory_space<vmem>>
      %dma_start3A_281 = arith.constant 0 : i32
      %dma_start3A_282 = arith.constant 0 : i32
      %dma_start3A_283 = tpu.memref_slice %arg10[%dma_start3A_281, %dma_start3A_282] : memref<10240x128xf32, #tpu.memory_space<vmem_shared>> -> memref<10240x128xf32, #tpu.memory_space<vmem_shared>>
      tpu.enqueue_indirect_dma source(%dma_start3A_277 : memref<128x128xf32, #tpu.memory_space<vmem>>) target(%dma_start3A_283 : memref<10240x128xf32, #tpu.memory_space<vmem_shared>>) offsets(%dma_start3A_280 : memref<128xi32, #tpu.memory_space<vmem>>) semaphore(%arg13 : memref<!tpu.dma_semaphore, #tpu.memory_space<semaphore_mem>>) {add = true}
    }
    %scan3A_84 = arith.constant 80 : i32
    %dma_wait3A_85 = arith.constant 0 : i32
    %dma_wait3A_86 = arith.constant 0 : i32
    %dma_wait3A_87 = arith.constant 1 : i32
    %dma_wait3A_88 = arith.constant 0 : i32
    %dma_wait3A_89 = arith.constant 0 : i32
    %dma_wait3A_90 = arith.constant 0 : i32
    %dma_wait3A_91 = tpu.memref_slice %arg9[%dma_wait3A_85, %dma_wait3A_89, %dma_wait3A_90] : memref<2x128x128xf32, #tpu.memory_space<vmem>> -> memref<1x128x128xf32, #tpu.memory_space<vmem>>
    %dma_wait3A_92 = tpu.memref_squeeze %dma_wait3A_91 : memref<1x128x128xf32, #tpu.memory_space<vmem>> -> memref<128x128xf32, #tpu.memory_space<vmem>>
    %dma_wait3A_93 = arith.constant 0 : i32
    %dma_wait3A_94 = tpu.memref_slice %arg8[%dma_wait3A_86, %dma_wait3A_87, %dma_wait3A_88, %dma_wait3A_93] : memref<2x2x8x128xi32, #tpu.memory_space<vmem>> -> memref<1x1x1x128xi32, #tpu.memory_space<vmem>>
    %dma_wait3A_95 = tpu.memref_squeeze %dma_wait3A_94 : memref<1x1x1x128xi32, #tpu.memory_space<vmem>> -> memref<128xi32, #tpu.memory_space<vmem>>
    %dma_wait3A_96 = arith.constant 0 : i32
    %dma_wait3A_97 = arith.constant 0 : i32
    %dma_wait3A_98 = tpu.memref_slice %arg10[%dma_wait3A_96, %dma_wait3A_97] : memref<10240x128xf32, #tpu.memory_space<vmem_shared>> -> memref<10240x128xf32, #tpu.memory_space<vmem_shared>>
    tpu.wait_indirect_dma semaphore(%arg13 : memref<!tpu.dma_semaphore, #tpu.memory_space<semaphore_mem>>) src(%dma_wait3A_92 : memref<128x128xf32, #tpu.memory_space<vmem>>) dst(%dma_wait3A_98 : memref<10240x128xf32, #tpu.memory_space<vmem_shared>>)
    %barrier3A_99 = arith.constant 0 : index
    tpu.barrier barrier_id(%barrier3A_99)
    %mul3A_100 = arith.constant 640 : i32
    %mul3A_101 = arith.muli %arg1, %mul3A_100 : i32
    %eq3A_102 = arith.constant 0 : i32
    %eq3A_103 = arith.cmpi eq, %arg0, %eq3A_102 : i32
    %convert_element_type3A = arith.extui %eq3A_103 : i1 to i32
    %cond3A = arith.constant 0 : i32
    %cond3A_104 = arith.cmpi ne, %convert_element_type3A, %cond3A : i32
    scf.if %cond3A_104 {
      "tpu.region"() ({
        %run_scoped3A_110 = tpu.sem_alloc : memref<!tpu.dma_semaphore, #tpu.memory_space<semaphore_mem>>
        %dma_start3A_111 = arith.constant 0 : i32
        %dma_start3A_112 = tpu.memref_slice %arg6[%mul3A_101, %dma_start3A_111] : memref<10240x128xf32, #tpu.memory_space<hbm>> -> memref<640x128xf32, #tpu.memory_space<hbm>>
        %dma_start3A_113 = arith.constant 0 : i32
        %dma_start3A_114 = tpu.memref_slice %arg10[%mul3A_101, %dma_start3A_113] : memref<10240x128xf32, #tpu.memory_space<vmem_shared>> -> memref<640x128xf32, #tpu.memory_space<vmem_shared>>
        tpu.enqueue_dma source(%dma_start3A_114 : memref<640x128xf32, #tpu.memory_space<vmem_shared>>) target(%dma_start3A_112 : memref<640x128xf32, #tpu.memory_space<hbm>>) target_semaphore(%run_scoped3A_110 : memref<!tpu.dma_semaphore, #tpu.memory_space<semaphore_mem>>)
        %dma_wait3A_115 = arith.constant 0 : i32
        %dma_wait3A_116 = tpu.memref_slice %arg6[%mul3A_101, %dma_wait3A_115] : memref<10240x128xf32, #tpu.memory_space<hbm>> -> memref<640x128xf32, #tpu.memory_space<hbm>>
        %dma_wait3A_117 = arith.constant 0 : i32
        %dma_wait3A_118 = tpu.memref_slice %arg10[%mul3A_101, %dma_wait3A_117] : memref<10240x128xf32, #tpu.memory_space<vmem_shared>> -> memref<640x128xf32, #tpu.memory_space<vmem_shared>>
        tpu.wait_dma2 semaphore(%run_scoped3A_110 : memref<!tpu.dma_semaphore, #tpu.memory_space<semaphore_mem>>) src(%dma_wait3A_118 : memref<640x128xf32, #tpu.memory_space<vmem_shared>>) dst(%dma_wait3A_116 : memref<640x128xf32, #tpu.memory_space<hbm>>)
        tpu.yield
      }) : () -> ()
    } else {
    }
    %eq3A_105 = arith.constant 1 : i32
    %eq3A_106 = arith.cmpi eq, %arg0, %eq3A_105 : i32
    %convert_element_type3A_107 = arith.extui %eq3A_106 : i1 to i32
    %cond3A_108 = arith.constant 0 : i32
    %cond3A_109 = arith.cmpi ne, %convert_element_type3A_107, %cond3A_108 : i32
    scf.if %cond3A_109 {
      "tpu.region"() ({
        %run_scoped3A_110 = tpu.sem_alloc : memref<!tpu.dma_semaphore, #tpu.memory_space<semaphore_mem>>
        %dma_start3A_111 = arith.constant 0 : i32
        %dma_start3A_112 = tpu.memref_slice %arg7[%mul3A_101, %dma_start3A_111] : memref<10240x128xf32, #tpu.memory_space<hbm>> -> memref<640x128xf32, #tpu.memory_space<hbm>>
        %dma_start3A_113 = arith.constant 0 : i32
        %dma_start3A_114 = tpu.memref_slice %arg10[%mul3A_101, %dma_start3A_113] : memref<10240x128xf32, #tpu.memory_space<vmem_shared>> -> memref<640x128xf32, #tpu.memory_space<vmem_shared>>
        tpu.enqueue_dma source(%dma_start3A_114 : memref<640x128xf32, #tpu.memory_space<vmem_shared>>) target(%dma_start3A_112 : memref<640x128xf32, #tpu.memory_space<hbm>>) target_semaphore(%run_scoped3A_110 : memref<!tpu.dma_semaphore, #tpu.memory_space<semaphore_mem>>)
        %dma_wait3A_115 = arith.constant 0 : i32
        %dma_wait3A_116 = tpu.memref_slice %arg7[%mul3A_101, %dma_wait3A_115] : memref<10240x128xf32, #tpu.memory_space<hbm>> -> memref<640x128xf32, #tpu.memory_space<hbm>>
        %dma_wait3A_117 = arith.constant 0 : i32
        %dma_wait3A_118 = tpu.memref_slice %arg10[%mul3A_101, %dma_wait3A_117] : memref<10240x128xf32, #tpu.memory_space<vmem_shared>> -> memref<640x128xf32, #tpu.memory_space<vmem_shared>>
        tpu.wait_dma2 semaphore(%run_scoped3A_110 : memref<!tpu.dma_semaphore, #tpu.memory_space<semaphore_mem>>) src(%dma_wait3A_118 : memref<640x128xf32, #tpu.memory_space<vmem_shared>>) dst(%dma_wait3A_116 : memref<640x128xf32, #tpu.memory_space<hbm>>)
        tpu.yield
      }) : () -> ()
    } else {
    }
    return
  }
}

#map = affine_map<(d0, d1) -> (0, 0)>
module attributes {stable_mosaic.version = 14 : i64} {
  func.func @k(%arg0: i32, %arg1: i32, %arg2: memref<32x10240xi32, #tpu.memory_space<hbm>>, %arg3: memref<32x10240xf32, #tpu.memory_space<hbm>>, %arg4: memref<10240xi32, #tpu.memory_space<vmem>>, %arg5: memref<10240xf32, #tpu.memory_space<vmem>>) attributes {dimension_semantics = [#tpu.dimension_semantics<core_parallel>, #tpu.dimension_semantics<subcore_parallel>], iteration_bounds = array<i64: 2, 16>, scalar_prefetch = 0 : i64, scratch_operands = 2 : i64, tpu.core_type = #tpu.core_type<sc_vector_subcore>, window_params = [{transform_indices = #map}, {transform_indices = #map}]} {
    %mul3A = arith.constant 2 : i32
    %mul3A_0 = arith.muli %arg1, %mul3A : i32
    %add3A = arith.addi %mul3A_0, %arg0 : i32
    "tpu.region"() ({
      %run_scoped3A = tpu.sem_alloc : memref<!tpu.dma_semaphore, #tpu.memory_space<semaphore_mem>>
      %dma_start3A = arith.constant 0 : i32
      %dma_start3A_15 = tpu.memref_slice %arg2[%add3A, %dma_start3A] : memref<32x10240xi32, #tpu.memory_space<hbm>> -> memref<1x10240xi32, #tpu.memory_space<hbm>>
      %dma_start3A_16 = tpu.memref_squeeze %dma_start3A_15 : memref<1x10240xi32, #tpu.memory_space<hbm>> -> memref<10240xi32, #tpu.memory_space<hbm>>
      %dma_start3A_17 = arith.constant 0 : i32
      %dma_start3A_18 = tpu.memref_slice %arg2[%add3A, %dma_start3A_17] : memref<32x10240xi32, #tpu.memory_space<hbm>> -> memref<1x10240xi32, #tpu.memory_space<hbm>>
      %dma_start3A_19 = tpu.memref_squeeze %dma_start3A_18 : memref<1x10240xi32, #tpu.memory_space<hbm>> -> memref<10240xi32, #tpu.memory_space<hbm>>
      tpu.enqueue_dma source(%dma_start3A_19 : memref<10240xi32, #tpu.memory_space<hbm>>) target(%arg4 : memref<10240xi32, #tpu.memory_space<vmem>>) target_semaphore(%run_scoped3A : memref<!tpu.dma_semaphore, #tpu.memory_space<semaphore_mem>>)
      %dma_wait3A = arith.constant 0 : i32
      %dma_wait3A_20 = tpu.memref_slice %arg2[%add3A, %dma_wait3A] : memref<32x10240xi32, #tpu.memory_space<hbm>> -> memref<1x10240xi32, #tpu.memory_space<hbm>>
      %dma_wait3A_21 = tpu.memref_squeeze %dma_wait3A_20 : memref<1x10240xi32, #tpu.memory_space<hbm>> -> memref<10240xi32, #tpu.memory_space<hbm>>
      %dma_wait3A_22 = arith.constant 0 : i32
      %dma_wait3A_23 = tpu.memref_slice %arg2[%add3A, %dma_wait3A_22] : memref<32x10240xi32, #tpu.memory_space<hbm>> -> memref<1x10240xi32, #tpu.memory_space<hbm>>
      %dma_wait3A_24 = tpu.memref_squeeze %dma_wait3A_23 : memref<1x10240xi32, #tpu.memory_space<hbm>> -> memref<10240xi32, #tpu.memory_space<hbm>>
      tpu.wait_dma2 semaphore(%run_scoped3A : memref<!tpu.dma_semaphore, #tpu.memory_space<semaphore_mem>>) src(%dma_wait3A_24 : memref<10240xi32, #tpu.memory_space<hbm>>) dst(%arg4 : memref<10240xi32, #tpu.memory_space<vmem>>)
      tpu.yield
    }) : () -> ()
    %broadcast_in_dim3A = arith.constant 0.000000e+00 : f32
    %broadcast_in_dim3A_1 = vector.broadcast %broadcast_in_dim3A : f32 to vector<16xf32>
    %scan3A = arith.constant 0 : i32
    %scan3A_2 = arith.constant 0 : i32
    %scan3A_3 = arith.constant 640 : i32
    %scan3A_4 = arith.addi %scan3A_2, %scan3A_3 : i32
    %scan3A_5 = arith.constant 1 : i32
    scf.for %scan3A_15 = %scan3A_2 to %scan3A_4 step %scan3A_5  : i32 {
      %mul3A_16 = arith.constant 16 : i32
      %mul3A_17 = arith.muli %scan3A_15, %mul3A_16 : i32
      %multiple_of3A = tpu.assume_multiple %mul3A_17, 16 : i32
      %swap3A = arith.index_cast %multiple_of3A : i32 to index
      %swap3A_18 = tpu.vector_load %arg5[%swap3A] {strides = array<i32>} : memref<10240xf32, #tpu.memory_space<vmem>>, vector<16xf32>,
      tpu.vector_store %arg5[%swap3A], %broadcast_in_dim3A_1 {strides = array<i32>} : memref<10240xf32, #tpu.memory_space<vmem>>, vector<16xf32>,
    }
    %scan3A_6 = arith.constant 640 : i32
    %broadcast_in_dim3A_7 = arith.constant 1.000000e+00 : f32
    %broadcast_in_dim3A_8 = vector.broadcast %broadcast_in_dim3A_7 : f32 to vector<16xf32>
    %scan3A_9 = arith.constant 0 : i32
    %scan3A_10 = arith.constant 0 : i32
    %scan3A_11 = arith.constant 640 : i32
    %scan3A_12 = arith.addi %scan3A_10, %scan3A_11 : i32
    %scan3A_13 = arith.constant 1 : i32
    scf.for %scan3A_15 = %scan3A_10 to %scan3A_12 step %scan3A_13  : i32 {
      %mul3A_16 = arith.constant 16 : i32
      %mul3A_17 = arith.muli %scan3A_15, %mul3A_16 : i32
      %multiple_of3A = tpu.assume_multiple %mul3A_17, 16 : i32
      %get3A = arith.index_cast %multiple_of3A : i32 to index
      %get3A_18 = tpu.vector_load %arg4[%get3A] {strides = array<i32>} : memref<10240xi32, #tpu.memory_space<vmem>>, vector<16xi32>,
      tpu.vector_store_idx %arg5[%get3A_18], %broadcast_in_dim3A_8 {add = true} : memref<10240xf32, #tpu.memory_space<vmem>>[vector<16xi32>], vector<16xf32>,
    }
    %scan3A_14 = arith.constant 640 : i32
    "tpu.region"() ({
      %run_scoped3A = tpu.sem_alloc : memref<!tpu.dma_semaphore, #tpu.memory_space<semaphore_mem>>
      %dma_start3A = arith.constant 0 : i32
      %dma_start3A_15 = tpu.memref_slice %arg3[%add3A, %dma_start3A] : memref<32x10240xf32, #tpu.memory_space<hbm>> -> memref<1x10240xf32, #tpu.memory_space<hbm>>
      %dma_start3A_16 = tpu.memref_squeeze %dma_start3A_15 : memref<1x10240xf32, #tpu.memory_space<hbm>> -> memref<10240xf32, #tpu.memory_space<hbm>>
      %dma_start3A_17 = arith.constant 0 : i32
      %dma_start3A_18 = tpu.memref_slice %arg3[%add3A, %dma_start3A_17] : memref<32x10240xf32, #tpu.memory_space<hbm>> -> memref<1x10240xf32, #tpu.memory_space<hbm>>
      %dma_start3A_19 = tpu.memref_squeeze %dma_start3A_18 : memref<1x10240xf32, #tpu.memory_space<hbm>> -> memref<10240xf32, #tpu.memory_space<hbm>>
      tpu.enqueue_dma source(%arg5 : memref<10240xf32, #tpu.memory_space<vmem>>) target(%dma_start3A_19 : memref<10240xf32, #tpu.memory_space<hbm>>) target_semaphore(%run_scoped3A : memref<!tpu.dma_semaphore, #tpu.memory_space<semaphore_mem>>)
      %dma_wait3A = arith.constant 0 : i32
      %dma_wait3A_20 = tpu.memref_slice %arg3[%add3A, %dma_wait3A] : memref<32x10240xf32, #tpu.memory_space<hbm>> -> memref<1x10240xf32, #tpu.memory_space<hbm>>
      %dma_wait3A_21 = tpu.memref_squeeze %dma_wait3A_20 : memref<1x10240xf32, #tpu.memory_space<hbm>> -> memref<10240xf32, #tpu.memory_space<hbm>>
      %dma_wait3A_22 = arith.constant 0 : i32
      %dma_wait3A_23 = tpu.memref_slice %arg3[%add3A, %dma_wait3A_22] : memref<32x10240xf32, #tpu.memory_space<hbm>> -> memref<1x10240xf32, #tpu.memory_space<hbm>>
      %dma_wait3A_24 = tpu.memref_squeeze %dma_wait3A_23 : memref<1x10240xf32, #tpu.memory_space<hbm>> -> memref<10240xf32, #tpu.memory_space<hbm>>
      tpu.wait_dma2 semaphore(%run_scoped3A : memref<!tpu.dma_semaphore, #tpu.memory_space<semaphore_mem>>) src(%arg5 : memref<10240xf32, #tpu.memory_space<vmem>>) dst(%dma_wait3A_24 : memref<10240xf32, #tpu.memory_space<hbm>>)
      tpu.yield
    }) : () -> ()
    return
  }
}

#map = affine_map<(d0, d1) -> (0, 0)>
#map1 = affine_map<(d0, d1) -> (0, 0, 0, 0)>
module attributes {stable_mosaic.version = 14 : i64} {
  func.func @k(%arg0: i32, %arg1: i32, %arg2: memref<10240x128xf32, #tpu.memory_space<hbm>>, %arg3: memref<16x20x8x128xi32, #tpu.memory_space<hbm>>, %arg4: memref<16x20x8x128xi32, #tpu.memory_space<hbm>>, %arg5: memref<640x128xf32, #tpu.memory_space<hbm>>, %arg6: memref<10240x128xf32, #tpu.memory_space<hbm>>, %arg7: memref<10240x128xf32, #tpu.memory_space<hbm>>, %arg8: memref<2x2x8x128xi32, #tpu.memory_space<vmem>>, %arg9: memref<2x128x128xf32, #tpu.memory_space<vmem>>, %arg10: memref<10240x128xf32, #tpu.memory_space<vmem_shared>>, %arg11: memref<!tpu.dma_semaphore, #tpu.memory_space<semaphore_mem>>, %arg12: memref<!tpu.dma_semaphore, #tpu.memory_space<semaphore_mem>>, %arg13: memref<!tpu.dma_semaphore, #tpu.memory_space<semaphore_mem>>, %arg14: memref<!tpu.dma_semaphore, #tpu.memory_space<semaphore_mem>>) attributes {dimension_semantics = [#tpu.dimension_semantics<core_parallel>, #tpu.dimension_semantics<subcore_parallel>], iteration_bounds = array<i64: 2, 16>, scalar_prefetch = 0 : i64, scratch_operands = 7 : i64, tpu.core_type = #tpu.core_type<sc_vector_subcore>, window_params = [{transform_indices = #map}, {transform_indices = #map1}, {transform_indices = #map1}, {transform_indices = #map}, {transform_indices = #map}, {transform_indices = #map}]} {
    %mul3A = arith.constant 640 : i32
    %mul3A_0 = arith.muli %arg1, %mul3A : i32
    %dma_start3A = arith.constant 0 : i32
    %dma_start3A_1 = tpu.memref_slice %arg10[%mul3A_0, %dma_start3A] : memref<10240x128xf32, #tpu.memory_space<vmem_shared>> -> memref<640x128xf32, #tpu.memory_space<vmem_shared>>
    tpu.enqueue_dma source(%arg5 : memref<640x128xf32, #tpu.memory_space<hbm>>) target(%dma_start3A_1 : memref<640x128xf32, #tpu.memory_space<vmem_shared>>) target_semaphore(%arg14 : memref<!tpu.dma_semaphore, #tpu.memory_space<semaphore_mem>>)
    %mul3A_2 = arith.constant 80 : i32
    %mul3A_3 = arith.muli %arg0, %mul3A_2 : i32
    %jit3A = arith.constant 8 : i32
    %div3A = arith.divsi %mul3A_3, %jit3A : i32
    %sign3A = arith.constant 0 : i32
    %sign3A_4 = arith.cmpi sgt, %mul3A_3, %sign3A : i32
    %sign3A_5 = arith.extui %sign3A_4 : i1 to i32
    %sign3A_6 = arith.constant 0 : i32
    %sign3A_7 = arith.cmpi slt, %mul3A_3, %sign3A_6 : i32
    %sign3A_8 = arith.extui %sign3A_7 : i1 to i32
    %sign3A_9 = arith.subi %sign3A_5, %sign3A_8 : i32
    %sign3A_10 = arith.constant 0 : i32
    %sign3A_11 = arith.cmpi sgt, %jit3A, %sign3A_10 : i32
    %sign3A_12 = arith.extui %sign3A_11 : i1 to i32
    %sign3A_13 = arith.constant 0 : i32
    %sign3A_14 = arith.cmpi slt, %jit3A, %sign3A_13 : i32
    %sign3A_15 = arith.extui %sign3A_14 : i1 to i32
    %sign3A_16 = arith.subi %sign3A_12, %sign3A_15 : i32
    %ne3A = arith.cmpi ne, %sign3A_9, %sign3A_16 : i32
    %rem3A = arith.remsi %mul3A_3, %jit3A : i32
    %ne3A_17 = arith.constant 0 : i32
    %ne3A_18 = arith.cmpi ne, %rem3A, %ne3A_17 : i32
    %and3A = arith.andi %ne3A, %ne3A_18 : i1
    %sub3A = arith.constant 1 : i32
    %sub3A_19 = arith.subi %div3A, %sub3A : i32
    %select_n3A = arith.select %and3A, %sub3A_19, %div3A : i32
    %jit3A_20 = arith.constant 2 : i32
    %eq3A = arith.constant 0 : i32
    %eq3A_21 = arith.cmpi eq, %jit3A_20, %eq3A : i32
    %jit3A_22 = arith.constant 1 : i32
    %select_n3A_23 = arith.select %eq3A_21, %jit3A_22, %jit3A_20 : i32
    %rem3A_24 = arith.remsi %select_n3A, %select_n3A_23 : i32
    %ne3A_25 = arith.constant 0 : i32
    %ne3A_26 = arith.cmpi ne, %rem3A_24, %ne3A_25 : i32
    %lt3A = arith.constant 0 : i32
    %lt3A_27 = arith.cmpi slt, %rem3A_24, %lt3A : i32
    %lt3A_28 = arith.constant 0 : i32
    %lt3A_29 = arith.cmpi slt, %select_n3A_23, %lt3A_28 : i32
    %ne3A_30 = arith.xori %lt3A_27, %lt3A_29 : i1
    %and3A_31 = arith.andi %ne3A_30, %ne3A_26 : i1
    %add3A = arith.addi %rem3A_24, %select_n3A_23 : i32
    %select_n3A_32 = arith.select %and3A_31, %add3A, %rem3A_24 : i32
    %run_scoped3A = arith.constant 0 : i32
    "tpu.region"() ({
      %run_scoped3A_110 = tpu.sem_alloc : memref<!tpu.dma_semaphore, #tpu.memory_space<semaphore_mem>>
      %dma_start3A_111 = arith.constant 0 : i32
      %dma_start3A_112 = arith.constant 0 : i32
      %dma_start3A_113 = tpu.memref_slice %arg8[%select_n3A_32, %run_scoped3A, %dma_start3A_111, %dma_start3A_112] : memref<2x2x8x128xi32, #tpu.memory_space<vmem>> -> memref<1x1x8x128xi32, #tpu.memory_space<vmem>>
      %dma_start3A_114 = tpu.memref_squeeze %dma_start3A_113 : memref<1x1x8x128xi32, #tpu.memory_space<vmem>> -> memref<8x128xi32, #tpu.memory_space<vmem>>
      %dma_start3A_115 = arith.constant 0 : i32
      %dma_start3A_116 = arith.constant 0 : i32
      %dma_start3A_117 = tpu.memref_slice %arg3[%arg1, %select_n3A, %dma_start3A_115, %dma_start3A_116] : memref<16x20x8x128xi32, #tpu.memory_space<hbm>> -> memref<1x1x8x128xi32, #tpu.memory_space<hbm>>
      %dma_start3A_118 = tpu.memref_squeeze %dma_start3A_117 : memref<1x1x8x128xi32, #tpu.memory_space<hbm>> -> memref<8x128xi32, #tpu.memory_space<hbm>>
      %dma_start3A_119 = arith.constant 0 : i32
      %dma_start3A_120 = arith.constant 0 : i32
      %dma_start3A_121 = tpu.memref_slice %arg8[%select_n3A_32, %run_scoped3A, %dma_start3A_119, %dma_start3A_120] : memref<2x2x8x128xi32, #tpu.memory_space<vmem>> -> memref<1x1x8x128xi32, #tpu.memory_space<vmem>>
      %dma_start3A_122 = tpu.memref_squeeze %dma_start3A_121 : memref<1x1x8x128xi32, #tpu.memory_space<vmem>> -> memref<8x128xi32, #tpu.memory_space<vmem>>
      %dma_start3A_123 = arith.constant 0 : i32
      %dma_start3A_124 = arith.constant 0 : i32
      %dma_start3A_125 = tpu.memref_slice %arg3[%arg1, %select_n3A, %dma_start3A_123, %dma_start3A_124] : memref<16x20x8x128xi32, #tpu.memory_space<hbm>> -> memref<1x1x8x128xi32, #tpu.memory_space<hbm>>
      %dma_start3A_126 = tpu.memref_squeeze %dma_start3A_125 : memref<1x1x8x128xi32, #tpu.memory_space<hbm>> -> memref<8x128xi32, #tpu.memory_space<hbm>>
      tpu.enqueue_dma source(%dma_start3A_126 : memref<8x128xi32, #tpu.memory_space<hbm>>) target(%dma_start3A_122 : memref<8x128xi32, #tpu.memory_space<vmem>>) target_semaphore(%run_scoped3A_110 : memref<!tpu.dma_semaphore, #tpu.memory_space<semaphore_mem>>)
      %dma_wait3A_127 = arith.constant 0 : i32
      %dma_wait3A_128 = arith.constant 0 : i32
      %dma_wait3A_129 = tpu.memref_slice %arg8[%select_n3A_32, %run_scoped3A, %dma_wait3A_127, %dma_wait3A_128] : memref<2x2x8x128xi32, #tpu.memory_space<vmem>> -> memref<1x1x8x128xi32, #tpu.memory_space<vmem>>
      %dma_wait3A_130 = tpu.memref_squeeze %dma_wait3A_129 : memref<1x1x8x128xi32, #tpu.memory_space<vmem>> -> memref<8x128xi32, #tpu.memory_space<vmem>>
      %dma_wait3A_131 = arith.constant 0 : i32
      %dma_wait3A_132 = arith.constant 0 : i32
      %dma_wait3A_133 = tpu.memref_slice %arg3[%arg1, %select_n3A, %dma_wait3A_131, %dma_wait3A_132] : memref<16x20x8x128xi32, #tpu.memory_space<hbm>> -> memref<1x1x8x128xi32, #tpu.memory_space<hbm>>
      %dma_wait3A_134 = tpu.memref_squeeze %dma_wait3A_133 : memref<1x1x8x128xi32, #tpu.memory_space<hbm>> -> memref<8x128xi32, #tpu.memory_space<hbm>>
      %dma_wait3A_135 = arith.constant 0 : i32
      %dma_wait3A_136 = arith.constant 0 : i32
      %dma_wait3A_137 = tpu.memref_slice %arg8[%select_n3A_32, %run_scoped3A, %dma_wait3A_135, %dma_wait3A_136] : memref<2x2x8x128xi32, #tpu.memory_space<vmem>> -> memref<1x1x8x128xi32, #tpu.memory_space<vmem>>
      %dma_wait3A_138 = tpu.memref_squeeze %dma_wait3A_137 : memref<1x1x8x128xi32, #tpu.memory_space<vmem>> -> memref<8x128xi32, #tpu.memory_space<vmem>>
      %dma_wait3A_139 = arith.constant 0 : i32
      %dma_wait3A_140 = arith.constant 0 : i32
      %dma_wait3A_141 = tpu.memref_slice %arg3[%arg1, %select_n3A, %dma_wait3A_139, %dma_wait3A_140] : memref<16x20x8x128xi32, #tpu.memory_space<hbm>> -> memref<1x1x8x128xi32, #tpu.memory_space<hbm>>
      %dma_wait3A_142 = tpu.memref_squeeze %dma_wait3A_141 : memref<1x1x8x128xi32, #tpu.memory_space<hbm>> -> memref<8x128xi32, #tpu.memory_space<hbm>>
      tpu.wait_dma2 semaphore(%run_scoped3A_110 : memref<!tpu.dma_semaphore, #tpu.memory_space<semaphore_mem>>) src(%dma_wait3A_142 : memref<8x128xi32, #tpu.memory_space<hbm>>) dst(%dma_wait3A_138 : memref<8x128xi32, #tpu.memory_space<vmem>>)
      tpu.yield
    }) : () -> ()
    %jit3A_33 = arith.constant 2 : i32
    %eq3A_34 = arith.constant 0 : i32
    %eq3A_35 = arith.cmpi eq, %jit3A_33, %eq3A_34 : i32
    %jit3A_36 = arith.constant 1 : i32
    %select_n3A_37 = arith.select %eq3A_35, %jit3A_36, %jit3A_33 : i32
    %rem3A_38 = arith.remsi %select_n3A, %select_n3A_37 : i32
    %ne3A_39 = arith.constant 0 : i32
    %ne3A_40 = arith.cmpi ne, %rem3A_38, %ne3A_39 : i32
    %lt3A_41 = arith.constant 0 : i32
    %lt3A_42 = arith.cmpi slt, %rem3A_38, %lt3A_41 : i32
    %lt3A_43 = arith.constant 0 : i32
    %lt3A_44 = arith.cmpi slt, %select_n3A_37, %lt3A_43 : i32
    %ne3A_45 = arith.xori %lt3A_42, %lt3A_44 : i1
    %and3A_46 = arith.andi %ne3A_45, %ne3A_40 : i1
    %add3A_47 = arith.addi %rem3A_38, %select_n3A_37 : i32
    %select_n3A_48 = arith.select %and3A_46, %add3A_47, %rem3A_38 : i32
    %run_scoped3A_49 = arith.constant 1 : i32
    "tpu.region"() ({
      %run_scoped3A_110 = tpu.sem_alloc : memref<!tpu.dma_semaphore, #tpu.memory_space<semaphore_mem>>
      %dma_start3A_111 = arith.constant 0 : i32
      %dma_start3A_112 = arith.constant 0 : i32
      %dma_start3A_113 = tpu.memref_slice %arg8[%select_n3A_48, %run_scoped3A_49, %dma_start3A_111, %dma_start3A_112] : memref<2x2x8x128xi32, #tpu.memory_space<vmem>> -> memref<1x1x8x128xi32, #tpu.memory_space<vmem>>
      %dma_start3A_114 = tpu.memref_squeeze %dma_start3A_113 : memref<1x1x8x128xi32, #tpu.memory_space<vmem>> -> memref<8x128xi32, #tpu.memory_space<vmem>>
      %dma_start3A_115 = arith.constant 0 : i32
      %dma_start3A_116 = arith.constant 0 : i32
      %dma_start3A_117 = tpu.memref_slice %arg4[%arg1, %select_n3A, %dma_start3A_115, %dma_start3A_116] : memref<16x20x8x128xi32, #tpu.memory_space<hbm>> -> memref<1x1x8x128xi32, #tpu.memory_space<hbm>>
      %dma_start3A_118 = tpu.memref_squeeze %dma_start3A_117 : memref<1x1x8x128xi32, #tpu.memory_space<hbm>> -> memref<8x128xi32, #tpu.memory_space<hbm>>
      %dma_start3A_119 = arith.constant 0 : i32
      %dma_start3A_120 = arith.constant 0 : i32
      %dma_start3A_121 = tpu.memref_slice %arg8[%select_n3A_48, %run_scoped3A_49, %dma_start3A_119, %dma_start3A_120] : memref<2x2x8x128xi32, #tpu.memory_space<vmem>> -> memref<1x1x8x128xi32, #tpu.memory_space<vmem>>
      %dma_start3A_122 = tpu.memref_squeeze %dma_start3A_121 : memref<1x1x8x128xi32, #tpu.memory_space<vmem>> -> memref<8x128xi32, #tpu.memory_space<vmem>>
      %dma_start3A_123 = arith.constant 0 : i32
      %dma_start3A_124 = arith.constant 0 : i32
      %dma_start3A_125 = tpu.memref_slice %arg4[%arg1, %select_n3A, %dma_start3A_123, %dma_start3A_124] : memref<16x20x8x128xi32, #tpu.memory_space<hbm>> -> memref<1x1x8x128xi32, #tpu.memory_space<hbm>>
      %dma_start3A_126 = tpu.memref_squeeze %dma_start3A_125 : memref<1x1x8x128xi32, #tpu.memory_space<hbm>> -> memref<8x128xi32, #tpu.memory_space<hbm>>
      tpu.enqueue_dma source(%dma_start3A_126 : memref<8x128xi32, #tpu.memory_space<hbm>>) target(%dma_start3A_122 : memref<8x128xi32, #tpu.memory_space<vmem>>) target_semaphore(%run_scoped3A_110 : memref<!tpu.dma_semaphore, #tpu.memory_space<semaphore_mem>>)
      %dma_wait3A_127 = arith.constant 0 : i32
      %dma_wait3A_128 = arith.constant 0 : i32
      %dma_wait3A_129 = tpu.memref_slice %arg8[%select_n3A_48, %run_scoped3A_49, %dma_wait3A_127, %dma_wait3A_128] : memref<2x2x8x128xi32, #tpu.memory_space<vmem>> -> memref<1x1x8x128xi32, #tpu.memory_space<vmem>>
      %dma_wait3A_130 = tpu.memref_squeeze %dma_wait3A_129 : memref<1x1x8x128xi32, #tpu.memory_space<vmem>> -> memref<8x128xi32, #tpu.memory_space<vmem>>
      %dma_wait3A_131 = arith.constant 0 : i32
      %dma_wait3A_132 = arith.constant 0 : i32
      %dma_wait3A_133 = tpu.memref_slice %arg4[%arg1, %select_n3A, %dma_wait3A_131, %dma_wait3A_132] : memref<16x20x8x128xi32, #tpu.memory_space<hbm>> -> memref<1x1x8x128xi32, #tpu.memory_space<hbm>>
      %dma_wait3A_134 = tpu.memref_squeeze %dma_wait3A_133 : memref<1x1x8x128xi32, #tpu.memory_space<hbm>> -> memref<8x128xi32, #tpu.memory_space<hbm>>
      %dma_wait3A_135 = arith.constant 0 : i32
      %dma_wait3A_136 = arith.constant 0 : i32
      %dma_wait3A_137 = tpu.memref_slice %arg8[%select_n3A_48, %run_scoped3A_49, %dma_wait3A_135, %dma_wait3A_136] : memref<2x2x8x128xi32, #tpu.memory_space<vmem>> -> memref<1x1x8x128xi32, #tpu.memory_space<vmem>>
      %dma_wait3A_138 = tpu.memref_squeeze %dma_wait3A_137 : memref<1x1x8x128xi32, #tpu.memory_space<vmem>> -> memref<8x128xi32, #tpu.memory_space<vmem>>
      %dma_wait3A_139 = arith.constant 0 : i32
      %dma_wait3A_140 = arith.constant 0 : i32
      %dma_wait3A_141 = tpu.memref_slice %arg4[%arg1, %select_n3A, %dma_wait3A_139, %dma_wait3A_140] : memref<16x20x8x128xi32, #tpu.memory_space<hbm>> -> memref<1x1x8x128xi32, #tpu.memory_space<hbm>>
      %dma_wait3A_142 = tpu.memref_squeeze %dma_wait3A_141 : memref<1x1x8x128xi32, #tpu.memory_space<hbm>> -> memref<8x128xi32, #tpu.memory_space<hbm>>
      tpu.wait_dma2 semaphore(%run_scoped3A_110 : memref<!tpu.dma_semaphore, #tpu.memory_space<semaphore_mem>>) src(%dma_wait3A_142 : memref<8x128xi32, #tpu.memory_space<hbm>>) dst(%dma_wait3A_138 : memref<8x128xi32, #tpu.memory_space<vmem>>)
      tpu.yield
    }) : () -> ()
    %jit3A_50 = arith.constant 2 : i32
    %eq3A_51 = arith.constant 0 : i32
    %eq3A_52 = arith.cmpi eq, %jit3A_50, %eq3A_51 : i32
    %jit3A_53 = arith.constant 1 : i32
    %select_n3A_54 = arith.select %eq3A_52, %jit3A_53, %jit3A_50 : i32
    %rem3A_55 = arith.remsi %select_n3A, %select_n3A_54 : i32
    %ne3A_56 = arith.constant 0 : i32
    %ne3A_57 = arith.cmpi ne, %rem3A_55, %ne3A_56 : i32
    %lt3A_58 = arith.constant 0 : i32
    %lt3A_59 = arith.cmpi slt, %rem3A_55, %lt3A_58 : i32
    %lt3A_60 = arith.constant 0 : i32
    %lt3A_61 = arith.cmpi slt, %select_n3A_54, %lt3A_60 : i32
    %ne3A_62 = arith.xori %lt3A_59, %lt3A_61 : i1
    %and3A_63 = arith.andi %ne3A_62, %ne3A_57 : i1
    %add3A_64 = arith.addi %rem3A_55, %select_n3A_54 : i32
    %select_n3A_65 = arith.select %and3A_63, %add3A_64, %rem3A_55 : i32
    %dma_start3A_66 = arith.constant 0 : i32
    %dma_start3A_67 = arith.constant 0 : i32
    %dma_start3A_68 = arith.constant 0 : i32
    %dma_start3A_69 = arith.constant 0 : i32
    %dma_start3A_70 = arith.constant 0 : i32
    %dma_start3A_71 = tpu.memref_slice %arg9[%dma_start3A_68, %dma_start3A_69, %dma_start3A_70] : memref<2x128x128xf32, #tpu.memory_space<vmem>> -> memref<1x128x128xf32, #tpu.memory_space<vmem>>
    %dma_start3A_72 = tpu.memref_squeeze %dma_start3A_71 : memref<1x128x128xf32, #tpu.memory_space<vmem>> -> memref<128x128xf32, #tpu.memory_space<vmem>>
    %dma_start3A_73 = arith.constant 0 : i32
    %dma_start3A_74 = tpu.memref_slice %arg8[%select_n3A_65, %dma_start3A_66, %dma_start3A_67, %dma_start3A_73] : memref<2x2x8x128xi32, #tpu.memory_space<vmem>> -> memref<1x1x1x128xi32, #tpu.memory_space<vmem>>
    %dma_start3A_75 = tpu.memref_squeeze %dma_start3A_74 : memref<1x1x1x128xi32, #tpu.memory_space<vmem>> -> memref<128xi32, #tpu.memory_space<vmem>>
    %dma_start3A_76 = arith.constant 0 : i32
    %dma_start3A_77 = arith.constant 0 : i32
    %dma_start3A_78 = tpu.memref_slice %arg2[%dma_start3A_76, %dma_start3A_77] : memref<10240x128xf32, #tpu.memory_space<hbm>> -> memref<10240x128xf32, #tpu.memory_space<hbm>>
    tpu.enqueue_indirect_dma source(%dma_start3A_78 : memref<10240x128xf32, #tpu.memory_space<hbm>>) target(%dma_start3A_72 : memref<128x128xf32, #tpu.memory_space<vmem>>) offsets(%dma_start3A_75 : memref<128xi32, #tpu.memory_space<vmem>>) semaphore(%arg12 : memref<!tpu.dma_semaphore, #tpu.memory_space<semaphore_mem>>)
    %dma_wait3A = arith.constant 0 : i32
    %dma_wait3A_79 = tpu.memref_slice %arg10[%mul3A_0, %dma_wait3A] : memref<10240x128xf32, #tpu.memory_space<vmem_shared>> -> memref<640x128xf32, #tpu.memory_space<vmem_shared>>
    tpu.wait_dma2 semaphore(%arg14 : memref<!tpu.dma_semaphore, #tpu.memory_space<semaphore_mem>>) src(%arg5 : memref<640x128xf32, #tpu.memory_space<hbm>>) dst(%dma_wait3A_79 : memref<640x128xf32, #tpu.memory_space<vmem_shared>>)
    %barrier3A = arith.constant 0 : index
    tpu.barrier barrier_id(%barrier3A)
    %scan3A = arith.constant 0 : i32
    %scan3A_80 = arith.constant 0 : i32
    %scan3A_81 = arith.constant 80 : i32
    %scan3A_82 = arith.addi %scan3A_80, %scan3A_81 : i32
    %scan3A_83 = arith.constant 1 : i32
    scf.for %scan3A_110 = %scan3A_80 to %scan3A_82 step %scan3A_83  : i32 {
      %add3A_111 = arith.addi %mul3A_3, %scan3A_110 : i32
      %jit3A_112 = arith.constant 8 : i32
      %div3A_113 = arith.divsi %add3A_111, %jit3A_112 : i32
      %sign3A_114 = arith.constant 0 : i32
      %sign3A_115 = arith.cmpi sgt, %add3A_111, %sign3A_114 : i32
      %sign3A_116 = arith.extui %sign3A_115 : i1 to i32
      %sign3A_117 = arith.constant 0 : i32
      %sign3A_118 = arith.cmpi slt, %add3A_111, %sign3A_117 : i32
      %sign3A_119 = arith.extui %sign3A_118 : i1 to i32
      %sign3A_120 = arith.subi %sign3A_116, %sign3A_119 : i32
      %sign3A_121 = arith.constant 0 : i32
      %sign3A_122 = arith.cmpi sgt, %jit3A_112, %sign3A_121 : i32
      %sign3A_123 = arith.extui %sign3A_122 : i1 to i32
      %sign3A_124 = arith.constant 0 : i32
      %sign3A_125 = arith.cmpi slt, %jit3A_112, %sign3A_124 : i32
      %sign3A_126 = arith.extui %sign3A_125 : i1 to i32
      %sign3A_127 = arith.subi %sign3A_123, %sign3A_126 : i32
      %ne3A_128 = arith.cmpi ne, %sign3A_120, %sign3A_127 : i32
      %rem3A_129 = arith.remsi %add3A_111, %jit3A_112 : i32
      %ne3A_130 = arith.constant 0 : i32
      %ne3A_131 = arith.cmpi ne, %rem3A_129, %ne3A_130 : i32
      %and3A_132 = arith.andi %ne3A_128, %ne3A_131 : i1
      %sub3A_133 = arith.constant 1 : i32
      %sub3A_134 = arith.subi %div3A_113, %sub3A_133 : i32
      %select_n3A_135 = arith.select %and3A_132, %sub3A_134, %div3A_113 : i32
      %jit3A_136 = arith.constant 8 : i32
      %eq3A_137 = arith.constant 0 : i32
      %eq3A_138 = arith.cmpi eq, %jit3A_136, %eq3A_137 : i32
      %jit3A_139 = arith.constant 1 : i32
      %select_n3A_140 = arith.select %eq3A_138, %jit3A_139, %jit3A_136 : i32
      %rem3A_141 = arith.remsi %add3A_111, %select_n3A_140 : i32
      %ne3A_142 = arith.constant 0 : i32
      %ne3A_143 = arith.cmpi ne, %rem3A_141, %ne3A_142 : i32
      %lt3A_144 = arith.constant 0 : i32
      %lt3A_145 = arith.cmpi slt, %rem3A_141, %lt3A_144 : i32
      %lt3A_146 = arith.constant 0 : i32
      %lt3A_147 = arith.cmpi slt, %select_n3A_140, %lt3A_146 : i32
      %ne3A_148 = arith.xori %lt3A_145, %lt3A_147 : i1
      %and3A_149 = arith.andi %ne3A_148, %ne3A_143 : i1
      %add3A_150 = arith.addi %rem3A_141, %select_n3A_140 : i32
      %select_n3A_151 = arith.select %and3A_149, %add3A_150, %rem3A_141 : i32
      %jit3A_152 = arith.constant 2 : i32
      %eq3A_153 = arith.constant 0 : i32
      %eq3A_154 = arith.cmpi eq, %jit3A_152, %eq3A_153 : i32
      %jit3A_155 = arith.constant 1 : i32
      %select_n3A_156 = arith.select %eq3A_154, %jit3A_155, %jit3A_152 : i32
      %rem3A_157 = arith.remsi %scan3A_110, %select_n3A_156 : i32
      %ne3A_158 = arith.constant 0 : i32
      %ne3A_159 = arith.cmpi ne, %rem3A_157, %ne3A_158 : i32
      %lt3A_160 = arith.constant 0 : i32
      %lt3A_161 = arith.cmpi slt, %rem3A_157, %lt3A_160 : i32
      %lt3A_162 = arith.constant 0 : i32
      %lt3A_163 = arith.cmpi slt, %select_n3A_156, %lt3A_162 : i32
      %ne3A_164 = arith.xori %lt3A_161, %lt3A_163 : i1
      %and3A_165 = arith.andi %ne3A_164, %ne3A_159 : i1
      %add3A_166 = arith.addi %rem3A_157, %select_n3A_156 : i32
      %select_n3A_167 = arith.select %and3A_165, %add3A_166, %rem3A_157 : i32
      %gt3A = arith.constant 0 : i32
      %gt3A_168 = arith.cmpi sgt, %scan3A_110, %gt3A : i32
      %convert_element_type3A_169 = arith.extui %gt3A_168 : i1 to i32
      %cond3A_170 = arith.constant 0 : i32
      %cond3A_171 = arith.cmpi ne, %convert_element_type3A_169, %cond3A_170 : i32
      scf.if %cond3A_171 {
        %dma_wait3A_284 = arith.constant 0 : i32
        %dma_wait3A_285 = arith.constant 0 : i32
        %dma_wait3A_286 = arith.constant 1 : i32
        %dma_wait3A_287 = arith.constant 0 : i32
        %dma_wait3A_288 = arith.constant 0 : i32
        %dma_wait3A_289 = arith.constant 0 : i32
        %dma_wait3A_290 = tpu.memref_slice %arg9[%dma_wait3A_284, %dma_wait3A_288, %dma_wait3A_289] : memref<2x128x128xf32, #tpu.memory_space<vmem>> -> memref<1x128x128xf32, #tpu.memory_space<vmem>>
        %dma_wait3A_291 = tpu.memref_squeeze %dma_wait3A_290 : memref<1x128x128xf32, #tpu.memory_space<vmem>> -> memref<128x128xf32, #tpu.memory_space<vmem>>
        %dma_wait3A_292 = arith.constant 0 : i32
        %dma_wait3A_293 = tpu.memref_slice %arg8[%dma_wait3A_285, %dma_wait3A_286, %dma_wait3A_287, %dma_wait3A_292] : memref<2x2x8x128xi32, #tpu.memory_space<vmem>> -> memref<1x1x1x128xi32, #tpu.memory_space<vmem>>
        %dma_wait3A_294 = tpu.memref_squeeze %dma_wait3A_293 : memref<1x1x1x128xi32, #tpu.memory_space<vmem>> -> memref<128xi32, #tpu.memory_space<vmem>>
        %dma_wait3A_295 = arith.constant 0 : i32
        %dma_wait3A_296 = arith.constant 0 : i32
        %dma_wait3A_297 = tpu.memref_slice %arg10[%dma_wait3A_295, %dma_wait3A_296] : memref<10240x128xf32, #tpu.memory_space<vmem_shared>> -> memref<10240x128xf32, #tpu.memory_space<vmem_shared>>
        tpu.wait_indirect_dma semaphore(%arg13 : memref<!tpu.dma_semaphore, #tpu.memory_space<semaphore_mem>>) src(%dma_wait3A_291 : memref<128x128xf32, #tpu.memory_space<vmem>>) dst(%dma_wait3A_297 : memref<10240x128xf32, #tpu.memory_space<vmem_shared>>)
      } else {
      }
      %eq3A_172 = arith.constant 0 : i32
      %eq3A_173 = arith.cmpi eq, %select_n3A_151, %eq3A_172 : i32
      %add3A_174 = arith.constant 8 : i32
      %add3A_175 = arith.addi %scan3A_110, %add3A_174 : i32
      %lt3A_176 = arith.constant 80 : i32
      %lt3A_177 = arith.cmpi slt, %add3A_175, %lt3A_176 : i32
      %and3A_178 = arith.andi %eq3A_173, %lt3A_177 : i1
      %convert_element_type3A_179 = arith.extui %and3A_178 : i1 to i32
      %cond3A_180 = arith.constant 0 : i32
      %cond3A_181 = arith.cmpi ne, %convert_element_type3A_179, %cond3A_180 : i32
      scf.if %cond3A_181 {
        %add3A_284 = arith.constant 1 : i32
        %add3A_285 = arith.addi %select_n3A_135, %add3A_284 : i32
        %add3A_286 = arith.constant 1 : i32
        %add3A_287 = arith.addi %select_n3A_135, %add3A_286 : i32
        %jit3A_288 = arith.constant 2 : i32
        %eq3A_289 = arith.constant 0 : i32
        %eq3A_290 = arith.cmpi eq, %jit3A_288, %eq3A_289 : i32
        %jit3A_291 = arith.constant 1 : i32
        %select_n3A_292 = arith.select %eq3A_290, %jit3A_291, %jit3A_288 : i32
        %rem3A_293 = arith.remsi %add3A_287, %select_n3A_292 : i32
        %ne3A_294 = arith.constant 0 : i32
        %ne3A_295 = arith.cmpi ne, %rem3A_293, %ne3A_294 : i32
        %lt3A_296 = arith.constant 0 : i32
        %lt3A_297 = arith.cmpi slt, %rem3A_293, %lt3A_296 : i32
        %lt3A_298 = arith.constant 0 : i32
        %lt3A_299 = arith.cmpi slt, %select_n3A_292, %lt3A_298 : i32
        %ne3A_300 = arith.xori %lt3A_297, %lt3A_299 : i1
        %and3A_301 = arith.andi %ne3A_300, %ne3A_295 : i1
        %add3A_302 = arith.addi %rem3A_293, %select_n3A_292 : i32
        %select_n3A_303 = arith.select %and3A_301, %add3A_302, %rem3A_293 : i32
        %dma_start3A_304 = arith.constant 0 : i32
        %dma_start3A_305 = arith.constant 0 : i32
        %dma_start3A_306 = arith.constant 0 : i32
        %dma_start3A_307 = tpu.memref_slice %arg8[%select_n3A_303, %dma_start3A_304, %dma_start3A_305, %dma_start3A_306] : memref<2x2x8x128xi32, #tpu.memory_space<vmem>> -> memref<1x1x8x128xi32, #tpu.memory_space<vmem>>
        %dma_start3A_308 = tpu.memref_squeeze %dma_start3A_307 : memref<1x1x8x128xi32, #tpu.memory_space<vmem>> -> memref<8x128xi32, #tpu.memory_space<vmem>>
        %dma_start3A_309 = arith.constant 0 : i32
        %dma_start3A_310 = arith.constant 0 : i32
        %dma_start3A_311 = tpu.memref_slice %arg3[%arg1, %add3A_285, %dma_start3A_309, %dma_start3A_310] : memref<16x20x8x128xi32, #tpu.memory_space<hbm>> -> memref<1x1x8x128xi32, #tpu.memory_space<hbm>>
        %dma_start3A_312 = tpu.memref_squeeze %dma_start3A_311 : memref<1x1x8x128xi32, #tpu.memory_space<hbm>> -> memref<8x128xi32, #tpu.memory_space<hbm>>
        %dma_start3A_313 = arith.constant 0 : i32
        %dma_start3A_314 = arith.constant 0 : i32
        %dma_start3A_315 = tpu.memref_slice %arg8[%select_n3A_303, %dma_start3A_304, %dma_start3A_313, %dma_start3A_314] : memref<2x2x8x128xi32, #tpu.memory_space<vmem>> -> memref<1x1x8x128xi32, #tpu.memory_space<vmem>>
        %dma_start3A_316 = tpu.memref_squeeze %dma_start3A_315 : memref<1x1x8x128xi32, #tpu.memory_space<vmem>> -> memref<8x128xi32, #tpu.memory_space<vmem>>
        %dma_start3A_317 = arith.constant 0 : i32
        %dma_start3A_318 = arith.constant 0 : i32
        %dma_start3A_319 = tpu.memref_slice %arg3[%arg1, %add3A_285, %dma_start3A_317, %dma_start3A_318] : memref<16x20x8x128xi32, #tpu.memory_space<hbm>> -> memref<1x1x8x128xi32, #tpu.memory_space<hbm>>
        %dma_start3A_320 = tpu.memref_squeeze %dma_start3A_319 : memref<1x1x8x128xi32, #tpu.memory_space<hbm>> -> memref<8x128xi32, #tpu.memory_space<hbm>>
        tpu.enqueue_dma source(%dma_start3A_320 : memref<8x128xi32, #tpu.memory_space<hbm>>) target(%dma_start3A_316 : memref<8x128xi32, #tpu.memory_space<vmem>>) target_semaphore(%arg11 : memref<!tpu.dma_semaphore, #tpu.memory_space<semaphore_mem>>)
        %add3A_321 = arith.constant 1 : i32
        %add3A_322 = arith.addi %select_n3A_135, %add3A_321 : i32
        %add3A_323 = arith.constant 1 : i32
        %add3A_324 = arith.addi %select_n3A_135, %add3A_323 : i32
        %jit3A_325 = arith.constant 2 : i32
        %eq3A_326 = arith.constant 0 : i32
        %eq3A_327 = arith.cmpi eq, %jit3A_325, %eq3A_326 : i32
        %jit3A_328 = arith.constant 1 : i32
        %select_n3A_329 = arith.select %eq3A_327, %jit3A_328, %jit3A_325 : i32
        %rem3A_330 = arith.remsi %add3A_324, %select_n3A_329 : i32
        %ne3A_331 = arith.constant 0 : i32
        %ne3A_332 = arith.cmpi ne, %rem3A_330, %ne3A_331 : i32
        %lt3A_333 = arith.constant 0 : i32
        %lt3A_334 = arith.cmpi slt, %rem3A_330, %lt3A_333 : i32
        %lt3A_335 = arith.constant 0 : i32
        %lt3A_336 = arith.cmpi slt, %select_n3A_329, %lt3A_335 : i32
        %ne3A_337 = arith.xori %lt3A_334, %lt3A_336 : i1
        %and3A_338 = arith.andi %ne3A_337, %ne3A_332 : i1
        %add3A_339 = arith.addi %rem3A_330, %select_n3A_329 : i32
        %select_n3A_340 = arith.select %and3A_338, %add3A_339, %rem3A_330 : i32
        %dma_start3A_341 = arith.constant 1 : i32
        %dma_start3A_342 = arith.constant 0 : i32
        %dma_start3A_343 = arith.constant 0 : i32
        %dma_start3A_344 = tpu.memref_slice %arg8[%select_n3A_340, %dma_start3A_341, %dma_start3A_342, %dma_start3A_343] : memref<2x2x8x128xi32, #tpu.memory_space<vmem>> -> memref<1x1x8x128xi32, #tpu.memory_space<vmem>>
        %dma_start3A_345 = tpu.memref_squeeze %dma_start3A_344 : memref<1x1x8x128xi32, #tpu.memory_space<vmem>> -> memref<8x128xi32, #tpu.memory_space<vmem>>
        %dma_start3A_346 = arith.constant 0 : i32
        %dma_start3A_347 = arith.constant 0 : i32
        %dma_start3A_348 = tpu.memref_slice %arg4[%arg1, %add3A_322, %dma_start3A_346, %dma_start3A_347] : memref<16x20x8x128xi32, #tpu.memory_space<hbm>> -> memref<1x1x8x128xi32, #tpu.memory_space<hbm>>
        %dma_start3A_349 = tpu.memref_squeeze %dma_start3A_348 : memref<1x1x8x128xi32, #tpu.memory_space<hbm>> -> memref<8x128xi32, #tpu.memory_space<hbm>>
        %dma_start3A_350 = arith.constant 0 : i32
        %dma_start3A_351 = arith.constant 0 : i32
        %dma_start3A_352 = tpu.memref_slice %arg8[%select_n3A_340, %dma_start3A_341, %dma_start3A_350, %dma_start3A_351] : memref<2x2x8x128xi32, #tpu.memory_space<vmem>> -> memref<1x1x8x128xi32, #tpu.memory_space<vmem>>
        %dma_start3A_353 = tpu.memref_squeeze %dma_start3A_352 : memref<1x1x8x128xi32, #tpu.memory_space<vmem>> -> memref<8x128xi32, #tpu.memory_space<vmem>>
        %dma_start3A_354 = arith.constant 0 : i32
        %dma_start3A_355 = arith.constant 0 : i32
        %dma_start3A_356 = tpu.memref_slice %arg4[%arg1, %add3A_322, %dma_start3A_354, %dma_start3A_355] : memref<16x20x8x128xi32, #tpu.memory_space<hbm>> -> memref<1x1x8x128xi32, #tpu.memory_space<hbm>>
        %dma_start3A_357 = tpu.memref_squeeze %dma_start3A_356 : memref<1x1x8x128xi32, #tpu.memory_space<hbm>> -> memref<8x128xi32, #tpu.memory_space<hbm>>
        tpu.enqueue_dma source(%dma_start3A_357 : memref<8x128xi32, #tpu.memory_space<hbm>>) target(%dma_start3A_353 : memref<8x128xi32, #tpu.memory_space<vmem>>) target_semaphore(%arg11 : memref<!tpu.dma_semaphore, #tpu.memory_space<semaphore_mem>>)
      } else {
      }
      %add3A_182 = arith.constant 1 : i32
      %add3A_183 = arith.addi %scan3A_110, %add3A_182 : i32
      %add3A_184 = arith.addi %mul3A_3, %add3A_183 : i32
      %jit3A_185 = arith.constant 8 : i32
      %div3A_186 = arith.divsi %add3A_184, %jit3A_185 : i32
      %sign3A_187 = arith.constant 0 : i32
      %sign3A_188 = arith.cmpi sgt, %add3A_184, %sign3A_187 : i32
      %sign3A_189 = arith.extui %sign3A_188 : i1 to i32
      %sign3A_190 = arith.constant 0 : i32
      %sign3A_191 = arith.cmpi slt, %add3A_184, %sign3A_190 : i32
      %sign3A_192 = arith.extui %sign3A_191 : i1 to i32
      %sign3A_193 = arith.subi %sign3A_189, %sign3A_192 : i32
      %sign3A_194 = arith.constant 0 : i32
      %sign3A_195 = arith.cmpi sgt, %jit3A_185, %sign3A_194 : i32
      %sign3A_196 = arith.extui %sign3A_195 : i1 to i32
      %sign3A_197 = arith.constant 0 : i32
      %sign3A_198 = arith.cmpi slt, %jit3A_185, %sign3A_197 : i32
      %sign3A_199 = arith.extui %sign3A_198 : i1 to i32
      %sign3A_200 = arith.subi %sign3A_196, %sign3A_199 : i32
      %ne3A_201 = arith.cmpi ne, %sign3A_193, %sign3A_200 : i32
      %rem3A_202 = arith.remsi %add3A_184, %jit3A_185 : i32
      %ne3A_203 = arith.constant 0 : i32
      %ne3A_204 = arith.cmpi ne, %rem3A_202, %ne3A_203 : i32
      %and3A_205 = arith.andi %ne3A_201, %ne3A_204 : i1
      %sub3A_206 = arith.constant 1 : i32
      %sub3A_207 = arith.subi %div3A_186, %sub3A_206 : i32
      %select_n3A_208 = arith.select %and3A_205, %sub3A_207, %div3A_186 : i32
      %jit3A_209 = arith.constant 8 : i32
      %eq3A_210 = arith.constant 0 : i32
      %eq3A_211 = arith.cmpi eq, %jit3A_209, %eq3A_210 : i32
      %jit3A_212 = arith.constant 1 : i32
      %select_n3A_213 = arith.select %eq3A_211, %jit3A_212, %jit3A_209 : i32
      %rem3A_214 = arith.remsi %add3A_184, %select_n3A_213 : i32
      %ne3A_215 = arith.constant 0 : i32
      %ne3A_216 = arith.cmpi ne, %rem3A_214, %ne3A_215 : i32
      %lt3A_217 = arith.constant 0 : i32
      %lt3A_218 = arith.cmpi slt, %rem3A_214, %lt3A_217 : i32
      %lt3A_219 = arith.constant 0 : i32
      %lt3A_220 = arith.cmpi slt, %select_n3A_213, %lt3A_219 : i32
      %ne3A_221 = arith.xori %lt3A_218, %lt3A_220 : i1
      %and3A_222 = arith.andi %ne3A_221, %ne3A_216 : i1
      %add3A_223 = arith.addi %rem3A_214, %select_n3A_213 : i32
      %select_n3A_224 = arith.select %and3A_222, %add3A_223, %rem3A_214 : i32
      %lt3A_225 = arith.constant 80 : i32
      %lt3A_226 = arith.cmpi slt, %add3A_183, %lt3A_225 : i32
      %convert_element_type3A_227 = arith.extui %lt3A_226 : i1 to i32
      %cond3A_228 = arith.constant 0 : i32
      %cond3A_229 = arith.cmpi ne, %convert_element_type3A_227, %cond3A_228 : i32
      scf.if %cond3A_229 {
        %eq3A_284 = arith.constant 0 : i32
        %eq3A_285 = arith.cmpi eq, %select_n3A_224, %eq3A_284 : i32
        %ge3A = arith.constant 8 : i32
        %ge3A_286 = arith.cmpi sge, %add3A_183, %ge3A : i32
        %and3A_287 = arith.andi %eq3A_285, %ge3A_286 : i1
        %convert_element_type3A_288 = arith.extui %and3A_287 : i1 to i32
        %cond3A_289 = arith.constant 0 : i32
        %cond3A_290 = arith.cmpi ne, %convert_element_type3A_288, %cond3A_289 : i32
        scf.if %cond3A_290 {
          %jit3A_334 = arith.constant 2 : i32
          %eq3A_335 = arith.constant 0 : i32
          %eq3A_336 = arith.cmpi eq, %jit3A_334, %eq3A_335 : i32
          %jit3A_337 = arith.constant 1 : i32
          %select_n3A_338 = arith.select %eq3A_336, %jit3A_337, %jit3A_334 : i32
          %rem3A_339 = arith.remsi %select_n3A_208, %select_n3A_338 : i32
          %ne3A_340 = arith.constant 0 : i32
          %ne3A_341 = arith.cmpi ne, %rem3A_339, %ne3A_340 : i32
          %lt3A_342 = arith.constant 0 : i32
          %lt3A_343 = arith.cmpi slt, %rem3A_339, %lt3A_342 : i32
          %lt3A_344 = arith.constant 0 : i32
          %lt3A_345 = arith.cmpi slt, %select_n3A_338, %lt3A_344 : i32
          %ne3A_346 = arith.xori %lt3A_343, %lt3A_345 : i1
          %and3A_347 = arith.andi %ne3A_346, %ne3A_341 : i1
          %add3A_348 = arith.addi %rem3A_339, %select_n3A_338 : i32
          %select_n3A_349 = arith.select %and3A_347, %add3A_348, %rem3A_339 : i32
          %dma_wait3A_350 = arith.constant 0 : i32
          %dma_wait3A_351 = arith.constant 0 : i32
          %dma_wait3A_352 = arith.constant 0 : i32
          %dma_wait3A_353 = tpu.memref_slice %arg8[%select_n3A_349, %dma_wait3A_350, %dma_wait3A_351, %dma_wait3A_352] : memref<2x2x8x128xi32, #tpu.memory_space<vmem>> -> memref<1x1x8x128xi32, #tpu.memory_space<vmem>>
          %dma_wait3A_354 = tpu.memref_squeeze %dma_wait3A_353 : memref<1x1x8x128xi32, #tpu.memory_space<vmem>> -> memref<8x128xi32, #tpu.memory_space<vmem>>
          %dma_wait3A_355 = arith.constant 0 : i32
          %dma_wait3A_356 = arith.constant 0 : i32
          %dma_wait3A_357 = tpu.memref_slice %arg3[%arg1, %select_n3A_208, %dma_wait3A_355, %dma_wait3A_356] : memref<16x20x8x128xi32, #tpu.memory_space<hbm>> -> memref<1x1x8x128xi32, #tpu.memory_space<hbm>>
          %dma_wait3A_358 = tpu.memref_squeeze %dma_wait3A_357 : memref<1x1x8x128xi32, #tpu.memory_space<hbm>> -> memref<8x128xi32, #tpu.memory_space<hbm>>
          %dma_wait3A_359 = arith.constant 0 : i32
          %dma_wait3A_360 = arith.constant 0 : i32
          %dma_wait3A_361 = tpu.memref_slice %arg8[%select_n3A_349, %dma_wait3A_350, %dma_wait3A_359, %dma_wait3A_360] : memref<2x2x8x128xi32, #tpu.memory_space<vmem>> -> memref<1x1x8x128xi32, #tpu.memory_space<vmem>>
          %dma_wait3A_362 = tpu.memref_squeeze %dma_wait3A_361 : memref<1x1x8x128xi32, #tpu.memory_space<vmem>> -> memref<8x128xi32, #tpu.memory_space<vmem>>
          %dma_wait3A_363 = arith.constant 0 : i32
          %dma_wait3A_364 = arith.constant 0 : i32
          %dma_wait3A_365 = tpu.memref_slice %arg3[%arg1, %select_n3A_208, %dma_wait3A_363, %dma_wait3A_364] : memref<16x20x8x128xi32, #tpu.memory_space<hbm>> -> memref<1x1x8x128xi32, #tpu.memory_space<hbm>>
          %dma_wait3A_366 = tpu.memref_squeeze %dma_wait3A_365 : memref<1x1x8x128xi32, #tpu.memory_space<hbm>> -> memref<8x128xi32, #tpu.memory_space<hbm>>
          tpu.wait_dma2 semaphore(%arg11 : memref<!tpu.dma_semaphore, #tpu.memory_space<semaphore_mem>>) src(%dma_wait3A_366 : memref<8x128xi32, #tpu.memory_space<hbm>>) dst(%dma_wait3A_362 : memref<8x128xi32, #tpu.memory_space<vmem>>)
          %jit3A_367 = arith.constant 2 : i32
          %eq3A_368 = arith.constant 0 : i32
          %eq3A_369 = arith.cmpi eq, %jit3A_367, %eq3A_368 : i32
          %jit3A_370 = arith.constant 1 : i32
          %select_n3A_371 = arith.select %eq3A_369, %jit3A_370, %jit3A_367 : i32
          %rem3A_372 = arith.remsi %select_n3A_208, %select_n3A_371 : i32
          %ne3A_373 = arith.constant 0 : i32
          %ne3A_374 = arith.cmpi ne, %rem3A_372, %ne3A_373 : i32
          %lt3A_375 = arith.constant 0 : i32
          %lt3A_376 = arith.cmpi slt, %rem3A_372, %lt3A_375 : i32
          %lt3A_377 = arith.constant 0 : i32
          %lt3A_378 = arith.cmpi slt, %select_n3A_371, %lt3A_377 : i32
          %ne3A_379 = arith.xori %lt3A_376, %lt3A_378 : i1
          %and3A_380 = arith.andi %ne3A_379, %ne3A_374 : i1
          %add3A_381 = arith.addi %rem3A_372, %select_n3A_371 : i32
          %select_n3A_382 = arith.select %and3A_380, %add3A_381, %rem3A_372 : i32
          %dma_wait3A_383 = arith.constant 1 : i32
          %dma_wait3A_384 = arith.constant 0 : i32
          %dma_wait3A_385 = arith.constant 0 : i32
          %dma_wait3A_386 = tpu.memref_slice %arg8[%select_n3A_382, %dma_wait3A_383, %dma_wait3A_384, %dma_wait3A_385] : memref<2x2x8x128xi32, #tpu.memory_space<vmem>> -> memref<1x1x8x128xi32, #tpu.memory_space<vmem>>
          %dma_wait3A_387 = tpu.memref_squeeze %dma_wait3A_386 : memref<1x1x8x128xi32, #tpu.memory_space<vmem>> -> memref<8x128xi32, #tpu.memory_space<vmem>>
          %dma_wait3A_388 = arith.constant 0 : i32
          %dma_wait3A_389 = arith.constant 0 : i32
          %dma_wait3A_390 = tpu.memref_slice %arg4[%arg1, %select_n3A_208, %dma_wait3A_388, %dma_wait3A_389] : memref<16x20x8x128xi32, #tpu.memory_space<hbm>> -> memref<1x1x8x128xi32, #tpu.memory_space<hbm>>
          %dma_wait3A_391 = tpu.memref_squeeze %dma_wait3A_390 : memref<1x1x8x128xi32, #tpu.memory_space<hbm>> -> memref<8x128xi32, #tpu.memory_space<hbm>>
          %dma_wait3A_392 = arith.constant 0 : i32
          %dma_wait3A_393 = arith.constant 0 : i32
          %dma_wait3A_394 = tpu.memref_slice %arg8[%select_n3A_382, %dma_wait3A_383, %dma_wait3A_392, %dma_wait3A_393] : memref<2x2x8x128xi32, #tpu.memory_space<vmem>> -> memref<1x1x8x128xi32, #tpu.memory_space<vmem>>
          %dma_wait3A_395 = tpu.memref_squeeze %dma_wait3A_394 : memref<1x1x8x128xi32, #tpu.memory_space<vmem>> -> memref<8x128xi32, #tpu.memory_space<vmem>>
          %dma_wait3A_396 = arith.constant 0 : i32
          %dma_wait3A_397 = arith.constant 0 : i32
          %dma_wait3A_398 = tpu.memref_slice %arg4[%arg1, %select_n3A_208, %dma_wait3A_396, %dma_wait3A_397] : memref<16x20x8x128xi32, #tpu.memory_space<hbm>> -> memref<1x1x8x128xi32, #tpu.memory_space<hbm>>
          %dma_wait3A_399 = tpu.memref_squeeze %dma_wait3A_398 : memref<1x1x8x128xi32, #tpu.memory_space<hbm>> -> memref<8x128xi32, #tpu.memory_space<hbm>>
          tpu.wait_dma2 semaphore(%arg11 : memref<!tpu.dma_semaphore, #tpu.memory_space<semaphore_mem>>) src(%dma_wait3A_399 : memref<8x128xi32, #tpu.memory_space<hbm>>) dst(%dma_wait3A_395 : memref<8x128xi32, #tpu.memory_space<vmem>>)
        } else {
        }
        %jit3A_291 = arith.constant 2 : i32
        %eq3A_292 = arith.constant 0 : i32
        %eq3A_293 = arith.cmpi eq, %jit3A_291, %eq3A_292 : i32
        %jit3A_294 = arith.constant 1 : i32
        %select_n3A_295 = arith.select %eq3A_293, %jit3A_294, %jit3A_291 : i32
        %rem3A_296 = arith.remsi %add3A_183, %select_n3A_295 : i32
        %ne3A_297 = arith.constant 0 : i32
        %ne3A_298 = arith.cmpi ne, %rem3A_296, %ne3A_297 : i32
        %lt3A_299 = arith.constant 0 : i32
        %lt3A_300 = arith.cmpi slt, %rem3A_296, %lt3A_299 : i32
        %lt3A_301 = arith.constant 0 : i32
        %lt3A_302 = arith.cmpi slt, %select_n3A_295, %lt3A_301 : i32
        %ne3A_303 = arith.xori %lt3A_300, %lt3A_302 : i1
        %and3A_304 = arith.andi %ne3A_303, %ne3A_298 : i1
        %add3A_305 = arith.addi %rem3A_296, %select_n3A_295 : i32
        %select_n3A_306 = arith.select %and3A_304, %add3A_305, %rem3A_296 : i32
        %jit3A_307 = arith.constant 2 : i32
        %eq3A_308 = arith.constant 0 : i32
        %eq3A_309 = arith.cmpi eq, %jit3A_307, %eq3A_308 : i32
        %jit3A_310 = arith.constant 1 : i32
        %select_n3A_311 = arith.select %eq3A_309, %jit3A_310, %jit3A_307 : i32
        %rem3A_312 = arith.remsi %select_n3A_208, %select_n3A_311 : i32
        %ne3A_313 = arith.constant 0 : i32
        %ne3A_314 = arith.cmpi ne, %rem3A_312, %ne3A_313 : i32
        %lt3A_315 = arith.constant 0 : i32
        %lt3A_316 = arith.cmpi slt, %rem3A_312, %lt3A_315 : i32
        %lt3A_317 = arith.constant 0 : i32
        %lt3A_318 = arith.cmpi slt, %select_n3A_311, %lt3A_317 : i32
        %ne3A_319 = arith.xori %lt3A_316, %lt3A_318 : i1
        %and3A_320 = arith.andi %ne3A_319, %ne3A_314 : i1
        %add3A_321 = arith.addi %rem3A_312, %select_n3A_311 : i32
        %select_n3A_322 = arith.select %and3A_320, %add3A_321, %rem3A_312 : i32
        %dma_start3A_323 = arith.constant 0 : i32
        %dma_start3A_324 = arith.constant 0 : i32
        %dma_start3A_325 = arith.constant 0 : i32
        %dma_start3A_326 = tpu.memref_slice %arg9[%select_n3A_306, %dma_start3A_324, %dma_start3A_325] : memref<2x128x128xf32, #tpu.memory_space<vmem>> -> memref<1x128x128xf32, #tpu.memory_space<vmem>>
        %dma_start3A_327 = tpu.memref_squeeze %dma_start3A_326 : memref<1x128x128xf32, #tpu.memory_space<vmem>> -> memref<128x128xf32, #tpu.memory_space<vmem>>
        %dma_start3A_328 = arith.constant 0 : i32
        %dma_start3A_329 = tpu.memref_slice %arg8[%select_n3A_322, %dma_start3A_323, %select_n3A_224, %dma_start3A_328] : memref<2x2x8x128xi32, #tpu.memory_space<vmem>> -> memref<1x1x1x128xi32, #tpu.memory_space<vmem>>
        %dma_start3A_330 = tpu.memref_squeeze %dma_start3A_329 : memref<1x1x1x128xi32, #tpu.memory_space<vmem>> -> memref<128xi32, #tpu.memory_space<vmem>>
        %dma_start3A_331 = arith.constant 0 : i32
        %dma_start3A_332 = arith.constant 0 : i32
        %dma_start3A_333 = tpu.memref_slice %arg2[%dma_start3A_331, %dma_start3A_332] : memref<10240x128xf32, #tpu.memory_space<hbm>> -> memref<10240x128xf32, #tpu.memory_space<hbm>>
        tpu.enqueue_indirect_dma source(%dma_start3A_333 : memref<10240x128xf32, #tpu.memory_space<hbm>>) target(%dma_start3A_327 : memref<128x128xf32, #tpu.memory_space<vmem>>) offsets(%dma_start3A_330 : memref<128xi32, #tpu.memory_space<vmem>>) semaphore(%arg12 : memref<!tpu.dma_semaphore, #tpu.memory_space<semaphore_mem>>)
      } else {
      }
      %jit3A_230 = arith.constant 2 : i32
      %eq3A_231 = arith.constant 0 : i32
      %eq3A_232 = arith.cmpi eq, %jit3A_230, %eq3A_231 : i32
      %jit3A_233 = arith.constant 1 : i32
      %select_n3A_234 = arith.select %eq3A_232, %jit3A_233, %jit3A_230 : i32
      %rem3A_235 = arith.remsi %select_n3A_135, %select_n3A_234 : i32
      %ne3A_236 = arith.constant 0 : i32
      %ne3A_237 = arith.cmpi ne, %rem3A_235, %ne3A_236 : i32
      %lt3A_238 = arith.constant 0 : i32
      %lt3A_239 = arith.cmpi slt, %rem3A_235, %lt3A_238 : i32
      %lt3A_240 = arith.constant 0 : i32
      %lt3A_241 = arith.cmpi slt, %select_n3A_234, %lt3A_240 : i32
      %ne3A_242 = arith.xori %lt3A_239, %lt3A_241 : i1
      %and3A_243 = arith.andi %ne3A_242, %ne3A_237 : i1
      %add3A_244 = arith.addi %rem3A_235, %select_n3A_234 : i32
      %select_n3A_245 = arith.select %and3A_243, %add3A_244, %rem3A_235 : i32
      %dma_wait3A_246 = arith.constant 0 : i32
      %dma_wait3A_247 = arith.constant 0 : i32
      %dma_wait3A_248 = arith.constant 0 : i32
      %dma_wait3A_249 = tpu.memref_slice %arg9[%select_n3A_167, %dma_wait3A_247, %dma_wait3A_248] : memref<2x128x128xf32, #tpu.memory_space<vmem>> -> memref<1x128x128xf32, #tpu.memory_space<vmem>>
      %dma_wait3A_250 = tpu.memref_squeeze %dma_wait3A_249 : memref<1x128x128xf32, #tpu.memory_space<vmem>> -> memref<128x128xf32, #tpu.memory_space<vmem>>
      %dma_wait3A_251 = arith.constant 0 : i32
      %dma_wait3A_252 = tpu.memref_slice %arg8[%select_n3A_245, %dma_wait3A_246, %select_n3A_151, %dma_wait3A_251] : memref<2x2x8x128xi32, #tpu.memory_space<vmem>> -> memref<1x1x1x128xi32, #tpu.memory_space<vmem>>
      %dma_wait3A_253 = tpu.memref_squeeze %dma_wait3A_252 : memref<1x1x1x128xi32, #tpu.memory_space<vmem>> -> memref<128xi32, #tpu.memory_space<vmem>>
      %dma_wait3A_254 = arith.constant 0 : i32
      %dma_wait3A_255 = arith.constant 0 : i32
      %dma_wait3A_256 = tpu.memref_slice %arg2[%dma_wait3A_254, %dma_wait3A_255] : memref<10240x128xf32, #tpu.memory_space<hbm>> -> memref<10240x128xf32, #tpu.memory_space<hbm>>
      tpu.wait_indirect_dma semaphore(%arg12 : memref<!tpu.dma_semaphore, #tpu.memory_space<semaphore_mem>>) src(%dma_wait3A_256 : memref<10240x128xf32, #tpu.memory_space<hbm>>) dst(%dma_wait3A_250 : memref<128x128xf32, #tpu.memory_space<vmem>>)
      %jit3A_257 = arith.constant 2 : i32
      %eq3A_258 = arith.constant 0 : i32
      %eq3A_259 = arith.cmpi eq, %jit3A_257, %eq3A_258 : i32
      %jit3A_260 = arith.constant 1 : i32
      %select_n3A_261 = arith.select %eq3A_259, %jit3A_260, %jit3A_257 : i32
      %rem3A_262 = arith.remsi %select_n3A_135, %select_n3A_261 : i32
      %ne3A_263 = arith.constant 0 : i32
      %ne3A_264 = arith.cmpi ne, %rem3A_262, %ne3A_263 : i32
      %lt3A_265 = arith.constant 0 : i32
      %lt3A_266 = arith.cmpi slt, %rem3A_262, %lt3A_265 : i32
      %lt3A_267 = arith.constant 0 : i32
      %lt3A_268 = arith.cmpi slt, %select_n3A_261, %lt3A_267 : i32
      %ne3A_269 = arith.xori %lt3A_266, %lt3A_268 : i1
      %and3A_270 = arith.andi %ne3A_269, %ne3A_264 : i1
      %add3A_271 = arith.addi %rem3A_262, %select_n3A_261 : i32
      %select_n3A_272 = arith.select %and3A_270, %add3A_271, %rem3A_262 : i32
      %dma_start3A_273 = arith.constant 1 : i32
      %dma_start3A_274 = arith.constant 0 : i32
      %dma_start3A_275 = arith.constant 0 : i32
      %dma_start3A_276 = tpu.memref_slice %arg9[%select_n3A_167, %dma_start3A_274, %dma_start3A_275] : memref<2x128x128xf32, #tpu.memory_space<vmem>> -> memref<1x128x128xf32, #tpu.memory_space<vmem>>
      %dma_start3A_277 = tpu.memref_squeeze %dma_start3A_276 : memref<1x128x128xf32, #tpu.memory_space<vmem>> -> memref<128x128xf32, #tpu.memory_space<vmem>>
      %dma_start3A_278 = arith.constant 0 : i32
      %dma_start3A_279 = tpu.memref_slice %arg8[%select_n3A_272, %dma_start3A_273, %select_n3A_151, %dma_start3A_278] : memref<2x2x8x128xi32, #tpu.memory_space<vmem>> -> memref<1x1x1x128xi32, #tpu.memory_space<vmem>>
      %dma_start3A_280 = tpu.memref_squeeze %dma_start3A_279 : memref<1x1x1x128xi32, #tpu.memory_space<vmem>> -> memref<128xi32, #tpu.memory_space<vmem>>
      %dma_start3A_281 = arith.constant 0 : i32
      %dma_start3A_282 = arith.constant 0 : i32
      %dma_start3A_283 = tpu.memref_slice %arg10[%dma_start3A_281, %dma_start3A_282] : memref<10240x128xf32, #tpu.memory_space<vmem_shared>> -> memref<10240x128xf32, #tpu.memory_space<vmem_shared>>
      tpu.enqueue_indirect_dma source(%dma_start3A_277 : memref<128x128xf32, #tpu.memory_space<vmem>>) target(%dma_start3A_283 : memref<10240x128xf32, #tpu.memory_space<vmem_shared>>) offsets(%dma_start3A_280 : memref<128xi32, #tpu.memory_space<vmem>>) semaphore(%arg13 : memref<!tpu.dma_semaphore, #tpu.memory_space<semaphore_mem>>) {add = true}
    }
    %scan3A_84 = arith.constant 80 : i32
    %dma_wait3A_85 = arith.constant 0 : i32
    %dma_wait3A_86 = arith.constant 0 : i32
    %dma_wait3A_87 = arith.constant 1 : i32
    %dma_wait3A_88 = arith.constant 0 : i32
    %dma_wait3A_89 = arith.constant 0 : i32
    %dma_wait3A_90 = arith.constant 0 : i32
    %dma_wait3A_91 = tpu.memref_slice %arg9[%dma_wait3A_85, %dma_wait3A_89, %dma_wait3A_90] : memref<2x128x128xf32, #tpu.memory_space<vmem>> -> memref<1x128x128xf32, #tpu.memory_space<vmem>>
    %dma_wait3A_92 = tpu.memref_squeeze %dma_wait3A_91 : memref<1x128x128xf32, #tpu.memory_space<vmem>> -> memref<128x128xf32, #tpu.memory_space<vmem>>
    %dma_wait3A_93 = arith.constant 0 : i32
    %dma_wait3A_94 = tpu.memref_slice %arg8[%dma_wait3A_86, %dma_wait3A_87, %dma_wait3A_88, %dma_wait3A_93] : memref<2x2x8x128xi32, #tpu.memory_space<vmem>> -> memref<1x1x1x128xi32, #tpu.memory_space<vmem>>
    %dma_wait3A_95 = tpu.memref_squeeze %dma_wait3A_94 : memref<1x1x1x128xi32, #tpu.memory_space<vmem>> -> memref<128xi32, #tpu.memory_space<vmem>>
    %dma_wait3A_96 = arith.constant 0 : i32
    %dma_wait3A_97 = arith.constant 0 : i32
    %dma_wait3A_98 = tpu.memref_slice %arg10[%dma_wait3A_96, %dma_wait3A_97] : memref<10240x128xf32, #tpu.memory_space<vmem_shared>> -> memref<10240x128xf32, #tpu.memory_space<vmem_shared>>
    tpu.wait_indirect_dma semaphore(%arg13 : memref<!tpu.dma_semaphore, #tpu.memory_space<semaphore_mem>>) src(%dma_wait3A_92 : memref<128x128xf32, #tpu.memory_space<vmem>>) dst(%dma_wait3A_98 : memref<10240x128xf32, #tpu.memory_space<vmem_shared>>)
    %barrier3A_99 = arith.constant 0 : index
    tpu.barrier barrier_id(%barrier3A_99)
    %mul3A_100 = arith.constant 640 : i32
    %mul3A_101 = arith.muli %arg1, %mul3A_100 : i32
    %eq3A_102 = arith.constant 0 : i32
    %eq3A_103 = arith.cmpi eq, %arg0, %eq3A_102 : i32
    %convert_element_type3A = arith.extui %eq3A_103 : i1 to i32
    %cond3A = arith.constant 0 : i32
    %cond3A_104 = arith.cmpi ne, %convert_element_type3A, %cond3A : i32
    scf.if %cond3A_104 {
      "tpu.region"() ({
        %run_scoped3A_110 = tpu.sem_alloc : memref<!tpu.dma_semaphore, #tpu.memory_space<semaphore_mem>>
        %dma_start3A_111 = arith.constant 0 : i32
        %dma_start3A_112 = tpu.memref_slice %arg6[%mul3A_101, %dma_start3A_111] : memref<10240x128xf32, #tpu.memory_space<hbm>> -> memref<640x128xf32, #tpu.memory_space<hbm>>
        %dma_start3A_113 = arith.constant 0 : i32
        %dma_start3A_114 = tpu.memref_slice %arg10[%mul3A_101, %dma_start3A_113] : memref<10240x128xf32, #tpu.memory_space<vmem_shared>> -> memref<640x128xf32, #tpu.memory_space<vmem_shared>>
        tpu.enqueue_dma source(%dma_start3A_114 : memref<640x128xf32, #tpu.memory_space<vmem_shared>>) target(%dma_start3A_112 : memref<640x128xf32, #tpu.memory_space<hbm>>) target_semaphore(%run_scoped3A_110 : memref<!tpu.dma_semaphore, #tpu.memory_space<semaphore_mem>>)
        %dma_wait3A_115 = arith.constant 0 : i32
        %dma_wait3A_116 = tpu.memref_slice %arg6[%mul3A_101, %dma_wait3A_115] : memref<10240x128xf32, #tpu.memory_space<hbm>> -> memref<640x128xf32, #tpu.memory_space<hbm>>
        %dma_wait3A_117 = arith.constant 0 : i32
        %dma_wait3A_118 = tpu.memref_slice %arg10[%mul3A_101, %dma_wait3A_117] : memref<10240x128xf32, #tpu.memory_space<vmem_shared>> -> memref<640x128xf32, #tpu.memory_space<vmem_shared>>
        tpu.wait_dma2 semaphore(%run_scoped3A_110 : memref<!tpu.dma_semaphore, #tpu.memory_space<semaphore_mem>>) src(%dma_wait3A_118 : memref<640x128xf32, #tpu.memory_space<vmem_shared>>) dst(%dma_wait3A_116 : memref<640x128xf32, #tpu.memory_space<hbm>>)
        tpu.yield
      }) : () -> ()
    } else {
    }
    %eq3A_105 = arith.constant 1 : i32
    %eq3A_106 = arith.cmpi eq, %arg0, %eq3A_105 : i32
    %convert_element_type3A_107 = arith.extui %eq3A_106 : i1 to i32
    %cond3A_108 = arith.constant 0 : i32
    %cond3A_109 = arith.cmpi ne, %convert_element_type3A_107, %cond3A_108 : i32
    scf.if %cond3A_109 {
      "tpu.region"() ({
        %run_scoped3A_110 = tpu.sem_alloc : memref<!tpu.dma_semaphore, #tpu.memory_space<semaphore_mem>>
        %dma_start3A_111 = arith.constant 0 : i32
        %dma_start3A_112 = tpu.memref_slice %arg7[%mul3A_101, %dma_start3A_111] : memref<10240x128xf32, #tpu.memory_space<hbm>> -> memref<640x128xf32, #tpu.memory_space<hbm>>
        %dma_start3A_113 = arith.constant 0 : i32
        %dma_start3A_114 = tpu.memref_slice %arg10[%mul3A_101, %dma_start3A_113] : memref<10240x128xf32, #tpu.memory_space<vmem_shared>> -> memref<640x128xf32, #tpu.memory_space<vmem_shared>>
        tpu.enqueue_dma source(%dma_start3A_114 : memref<640x128xf32, #tpu.memory_space<vmem_shared>>) target(%dma_start3A_112 : memref<640x128xf32, #tpu.memory_space<hbm>>) target_semaphore(%run_scoped3A_110 : memref<!tpu.dma_semaphore, #tpu.memory_space<semaphore_mem>>)
        %dma_wait3A_115 = arith.constant 0 : i32
        %dma_wait3A_116 = tpu.memref_slice %arg7[%mul3A_101, %dma_wait3A_115] : memref<10240x128xf32, #tpu.memory_space<hbm>> -> memref<640x128xf32, #tpu.memory_space<hbm>>
        %dma_wait3A_117 = arith.constant 0 : i32
        %dma_wait3A_118 = tpu.memref_slice %arg10[%mul3A_101, %dma_wait3A_117] : memref<10240x128xf32, #tpu.memory_space<vmem_shared>> -> memref<640x128xf32, #tpu.memory_space<vmem_shared>>
        tpu.wait_dma2 semaphore(%run_scoped3A_110 : memref<!tpu.dma_semaphore, #tpu.memory_space<semaphore_mem>>) src(%dma_wait3A_118 : memref<640x128xf32, #tpu.memory_space<vmem_shared>>) dst(%dma_wait3A_116 : memref<640x128xf32, #tpu.memory_space<hbm>>)
        tpu.yield
      }) : () -> ()
    } else {
    }
    return
  }
}

module attributes {stable_mosaic.version = 14 : i64} {
  func.func @body(%arg0: i32, %arg1: memref<1280x128xf32, #tpu.memory_space<vmem>>, %arg2: memref<32x1280xf32, #tpu.memory_space<vmem>>, %arg3: memref<1280x128xf32, #tpu.memory_space<vmem>>) attributes {dimension_semantics = [#tpu.dimension_semantics<arbitrary>], iteration_bounds = array<i64: 8>, scalar_prefetch = 0 : i64, scratch_operands = 0 : i64, tpu.core_type = #tpu.core_type<tc>, window_params = [{transform_indices = @transform_0, window_bounds = array<i64: 1280, 128>}, {transform_indices = @transform_1, window_bounds = array<i64: 32, 1280>}, {transform_indices = @transform_2, window_bounds = array<i64: 1280, 128>}]} {
    %get3A = arith.constant 0 : index
    %get3A_0 = arith.constant 0 : index
    %get3A_1 = vector.load %arg2[%get3A, %get3A_0] : memref<32x1280xf32, #tpu.memory_space<vmem>>, vector<32x1280xf32>
    %reduce_sum3A = arith.constant dense<0.000000e+00> : vector<1280xf32>
    %reduce_sum3A_2 = vector.multi_reduction <add>, %get3A_1, %reduce_sum3A [0] : vector<32x1280xf32> to vector<1280xf32>
    %add3A = arith.constant 1.000000e+00 : f32
    %add3A_3 = vector.broadcast %add3A : f32 to vector<1280xf32>
    %add3A_4 = arith.addf %reduce_sum3A_2, %add3A_3 : vector<1280xf32>
    %rsqrt3A = math.rsqrt %add3A_4 : vector<1280xf32>
    %get3A_5 = arith.constant 0 : index
    %get3A_6 = arith.constant 0 : index
    %get3A_7 = vector.load %arg1[%get3A_5, %get3A_6] : memref<1280x128xf32, #tpu.memory_space<vmem>>, vector<1280x128xf32>
    %broadcast_in_dim3A = vector.shape_cast %rsqrt3A : vector<1280xf32> to vector<1280x1xf32>
    %mul3A = vector.broadcast %broadcast_in_dim3A : vector<1280x1xf32> to vector<1280x128xf32>
    %mul3A_8 = arith.mulf %get3A_7, %mul3A : vector<1280x128xf32>
    %swap3A = arith.constant 0 : index
    %swap3A_9 = arith.constant 0 : index
    %swap3A_10 = vector.load %arg3[%swap3A, %swap3A_9] : memref<1280x128xf32, #tpu.memory_space<vmem>>, vector<1280x128xf32>
    tpu.vector_store %arg3[%swap3A, %swap3A_9], %mul3A_8 {strides = array<i32>} : memref<1280x128xf32, #tpu.memory_space<vmem>>, vector<1280x128xf32>,
    return
  }
  func.func @transform_0(%arg0: i32) -> (i32, i32) {
    %c0_i32 = arith.constant 0 : i32
    %c0_i32_0 = arith.constant 0 : i32
    return %arg0, %c0_i32 : i32, i32
  }
  func.func @transform_1(%arg0: i32) -> (i32, i32) {
    %c0_i32 = arith.constant 0 : i32
    %c0_i32_0 = arith.constant 0 : i32
    return %c0_i32, %arg0 : i32, i32
  }
  func.func @transform_2(%arg0: i32) -> (i32, i32) {
    %c0_i32 = arith.constant 0 : i32
    %c0_i32_0 = arith.constant 0 : i32
    return %arg0, %c0_i32 : i32, i32
  }
}

module attributes {stable_mosaic.version = 14 : i64} {
  func.func @body(%arg0: i32, %arg1: memref<1280x128xf32, #tpu.memory_space<vmem>>, %arg2: memref<1280x128xf32, #tpu.memory_space<vmem>>, %arg3: memref<1280x128xf32, #tpu.memory_space<vmem>>, %arg4: memref<32x1280xf32, #tpu.memory_space<vmem>>, %arg5: memref<128x256xf32, #tpu.memory_space<vmem>>, %arg6: memref<1x256xf32, #tpu.memory_space<vmem>>, %arg7: memref<256x128xf32, #tpu.memory_space<vmem>>, %arg8: memref<1280x128xf32, #tpu.memory_space<vmem>>) attributes {dimension_semantics = [#tpu.dimension_semantics<arbitrary>], iteration_bounds = array<i64: 8>, scalar_prefetch = 0 : i64, scratch_operands = 0 : i64, tpu.core_type = #tpu.core_type<tc>, window_params = [{transform_indices = @transform_0, window_bounds = array<i64: 1280, 128>}, {transform_indices = @transform_1, window_bounds = array<i64: 1280, 128>}, {transform_indices = @transform_2, window_bounds = array<i64: 1280, 128>}, {transform_indices = @transform_3, window_bounds = array<i64: 32, 1280>}, {pipeline_mode = #tpu.pipeline_mode<synchronous>, transform_indices = @transform_4, window_bounds = array<i64: 128, 256>}, {pipeline_mode = #tpu.pipeline_mode<synchronous>, transform_indices = @transform_5, window_bounds = array<i64: 1, 256>}, {pipeline_mode = #tpu.pipeline_mode<synchronous>, transform_indices = @transform_6, window_bounds = array<i64: 256, 128>}, {transform_indices = @transform_7, window_bounds = array<i64: 1280, 128>}]} {
    %get3A = arith.constant 0 : index
    %get3A_0 = arith.constant 0 : index
    %get3A_1 = vector.load %arg4[%get3A, %get3A_0] : memref<32x1280xf32, #tpu.memory_space<vmem>>, vector<32x1280xf32>
    %reduce_sum3A = arith.constant dense<0.000000e+00> : vector<1280xf32>
    %reduce_sum3A_2 = vector.multi_reduction <add>, %get3A_1, %reduce_sum3A [0] : vector<32x1280xf32> to vector<1280xf32>
    %add3A = arith.constant 1.000000e+00 : f32
    %add3A_3 = vector.broadcast %add3A : f32 to vector<1280xf32>
    %add3A_4 = arith.addf %reduce_sum3A_2, %add3A_3 : vector<1280xf32>
    %rsqrt3A = math.rsqrt %add3A_4 : vector<1280xf32>
    %get3A_5 = arith.constant 0 : index
    %get3A_6 = arith.constant 0 : index
    %get3A_7 = vector.load %arg1[%get3A_5, %get3A_6] : memref<1280x128xf32, #tpu.memory_space<vmem>>, vector<1280x128xf32>
    %get3A_8 = arith.constant 0 : index
    %get3A_9 = arith.constant 0 : index
    %get3A_10 = vector.load %arg2[%get3A_8, %get3A_9] : memref<1280x128xf32, #tpu.memory_space<vmem>>, vector<1280x128xf32>
    %add3A_11 = arith.addf %get3A_7, %get3A_10 : vector<1280x128xf32>
    %get3A_12 = arith.constant 0 : index
    %get3A_13 = arith.constant 0 : index
    %get3A_14 = vector.load %arg3[%get3A_12, %get3A_13] : memref<1280x128xf32, #tpu.memory_space<vmem>>, vector<1280x128xf32>
    %add3A_15 = arith.addf %add3A_11, %get3A_14 : vector<1280x128xf32>
    %get3A_16 = arith.constant 0 : index
    %get3A_17 = arith.constant 0 : index
    %get3A_18 = vector.load %arg5[%get3A_16, %get3A_17] : memref<128x256xf32, #tpu.memory_space<vmem>>, vector<128x256xf32>
    %dot_general3A = arith.constant dense<0.000000e+00> : vector<1280x256xf32>
    %dot_general3A_19 = tpu.matmul %add3A_15, %get3A_18, %dot_general3A {dimension_numbers = #tpu.dot_dimension_numbers<[1], [0], [0], [1], [0, 0, 1, 1], [], []>, transpose_lhs_hint = false} : vector<1280x128xf32>, vector<128x256xf32>, vector<1280x256xf32> -> vector<1280x256xf32>
    %broadcast_in_dim3A = vector.shape_cast %rsqrt3A : vector<1280xf32> to vector<1280x1xf32>
    %mul3A = vector.broadcast %broadcast_in_dim3A : vector<1280x1xf32> to vector<1280x256xf32>
    %mul3A_20 = arith.mulf %dot_general3A_19, %mul3A : vector<1280x256xf32>
    %get3A_21 = arith.constant 0 : index
    %get3A_22 = arith.constant 0 : index
    %get3A_23 = vector.load %arg6[%get3A_21, %get3A_22] : memref<1x256xf32, #tpu.memory_space<vmem>>, vector<1x256xf32>
    %add3A_24 = vector.broadcast %get3A_23 : vector<1x256xf32> to vector<1280x256xf32>
    %add3A_25 = arith.addf %mul3A_20, %add3A_24 : vector<1280x256xf32>
    %max3A = arith.constant 0.000000e+00 : f32
    %max3A_26 = vector.broadcast %max3A : f32 to vector<1280x256xf32>
    %max3A_27 = arith.maximumf %add3A_25, %max3A_26 : vector<1280x256xf32>
    %get3A_28 = arith.constant 0 : index
    %get3A_29 = arith.constant 0 : index
    %get3A_30 = vector.load %arg7[%get3A_28, %get3A_29] : memref<256x128xf32, #tpu.memory_space<vmem>>, vector<256x128xf32>
    %dot_general3A_31 = arith.constant dense<0.000000e+00> : vector<1280x128xf32>
    %dot_general3A_32 = tpu.matmul %max3A_27, %get3A_30, %dot_general3A_31 {dimension_numbers = #tpu.dot_dimension_numbers<[1], [0], [0], [1], [0, 0, 1, 1], [], []>, transpose_lhs_hint = false} : vector<1280x256xf32>, vector<256x128xf32>, vector<1280x128xf32> -> vector<1280x128xf32>
    %broadcast_in_dim3A_33 = vector.shape_cast %rsqrt3A : vector<1280xf32> to vector<1280x1xf32>
    %mul3A_34 = vector.broadcast %broadcast_in_dim3A_33 : vector<1280x1xf32> to vector<1280x128xf32>
    %mul3A_35 = arith.mulf %dot_general3A_32, %mul3A_34 : vector<1280x128xf32>
    %swap3A = arith.constant 0 : index
    %swap3A_36 = arith.constant 0 : index
    %swap3A_37 = vector.load %arg8[%swap3A, %swap3A_36] : memref<1280x128xf32, #tpu.memory_space<vmem>>, vector<1280x128xf32>
    tpu.vector_store %arg8[%swap3A, %swap3A_36], %mul3A_35 {strides = array<i32>} : memref<1280x128xf32, #tpu.memory_space<vmem>>, vector<1280x128xf32>,
    return
  }
  func.func @transform_0(%arg0: i32) -> (i32, i32) {
    %c0_i32 = arith.constant 0 : i32
    %c0_i32_0 = arith.constant 0 : i32
    return %arg0, %c0_i32 : i32, i32
  }
  func.func @transform_1(%arg0: i32) -> (i32, i32) {
    %c0_i32 = arith.constant 0 : i32
    %c0_i32_0 = arith.constant 0 : i32
    return %arg0, %c0_i32 : i32, i32
  }
  func.func @transform_2(%arg0: i32) -> (i32, i32) {
    %c0_i32 = arith.constant 0 : i32
    %c0_i32_0 = arith.constant 0 : i32
    return %arg0, %c0_i32 : i32, i32
  }
  func.func @transform_3(%arg0: i32) -> (i32, i32) {
    %c0_i32 = arith.constant 0 : i32
    %c0_i32_0 = arith.constant 0 : i32
    return %c0_i32, %arg0 : i32, i32
  }
  func.func @transform_4(%arg0: i32) -> (i32, i32) {
    %c0_i32 = arith.constant 0 : i32
    %c0_i32_0 = arith.constant 0 : i32
    %c0_i32_1 = arith.constant 0 : i32
    return %c0_i32, %c0_i32_0 : i32, i32
  }
  func.func @transform_5(%arg0: i32) -> (i32, i32) {
    %c0_i32 = arith.constant 0 : i32
    %c0_i32_0 = arith.constant 0 : i32
    %c0_i32_1 = arith.constant 0 : i32
    return %c0_i32, %c0_i32_0 : i32, i32
  }
  func.func @transform_6(%arg0: i32) -> (i32, i32) {
    %c0_i32 = arith.constant 0 : i32
    %c0_i32_0 = arith.constant 0 : i32
    %c0_i32_1 = arith.constant 0 : i32
    return %c0_i32, %c0_i32_0 : i32, i32
  }
  func.func @transform_7(%arg0: i32) -> (i32, i32) {
    %c0_i32 = arith.constant 0 : i32
    %c0_i32_0 = arith.constant 0 : i32
    return %arg0, %c0_i32 : i32, i32
  }
}

module attributes {stable_mosaic.version = 14 : i64} {
  func.func @body(%arg0: i32, %arg1: memref<1280x128xf32, #tpu.memory_space<vmem>>, %arg2: memref<1280x128xf32, #tpu.memory_space<vmem>>, %arg3: memref<1280x128xf32, #tpu.memory_space<vmem>>, %arg4: memref<32x1280xf32, #tpu.memory_space<vmem>>, %arg5: memref<1x128xf32, #tpu.memory_space<vmem>>, %arg6: memref<1280x128xf32, #tpu.memory_space<vmem>>) attributes {dimension_semantics = [#tpu.dimension_semantics<arbitrary>], iteration_bounds = array<i64: 8>, scalar_prefetch = 0 : i64, scratch_operands = 0 : i64, tpu.core_type = #tpu.core_type<tc>, window_params = [{transform_indices = @transform_0, window_bounds = array<i64: 1280, 128>}, {transform_indices = @transform_1, window_bounds = array<i64: 1280, 128>}, {transform_indices = @transform_2, window_bounds = array<i64: 1280, 128>}, {transform_indices = @transform_3, window_bounds = array<i64: 32, 1280>}, {pipeline_mode = #tpu.pipeline_mode<synchronous>, transform_indices = @transform_4, window_bounds = array<i64: 1, 128>}, {transform_indices = @transform_5, window_bounds = array<i64: 1280, 128>}]} {
    %get3A = arith.constant 0 : index
    %get3A_0 = arith.constant 0 : index
    %get3A_1 = vector.load %arg4[%get3A, %get3A_0] : memref<32x1280xf32, #tpu.memory_space<vmem>>, vector<32x1280xf32>
    %reduce_sum3A = arith.constant dense<0.000000e+00> : vector<1280xf32>
    %reduce_sum3A_2 = vector.multi_reduction <add>, %get3A_1, %reduce_sum3A [0] : vector<32x1280xf32> to vector<1280xf32>
    %add3A = arith.constant 1.000000e+00 : f32
    %add3A_3 = vector.broadcast %add3A : f32 to vector<1280xf32>
    %add3A_4 = arith.addf %reduce_sum3A_2, %add3A_3 : vector<1280xf32>
    %rsqrt3A = math.rsqrt %add3A_4 : vector<1280xf32>
    %get3A_5 = arith.constant 0 : index
    %get3A_6 = arith.constant 0 : index
    %get3A_7 = vector.load %arg1[%get3A_5, %get3A_6] : memref<1280x128xf32, #tpu.memory_space<vmem>>, vector<1280x128xf32>
    %get3A_8 = arith.constant 0 : index
    %get3A_9 = arith.constant 0 : index
    %get3A_10 = vector.load %arg2[%get3A_8, %get3A_9] : memref<1280x128xf32, #tpu.memory_space<vmem>>, vector<1280x128xf32>
    %add3A_11 = arith.addf %get3A_7, %get3A_10 : vector<1280x128xf32>
    %get3A_12 = arith.constant 0 : index
    %get3A_13 = arith.constant 0 : index
    %get3A_14 = vector.load %arg3[%get3A_12, %get3A_13] : memref<1280x128xf32, #tpu.memory_space<vmem>>, vector<1280x128xf32>
    %add3A_15 = arith.addf %add3A_11, %get3A_14 : vector<1280x128xf32>
    %broadcast_in_dim3A = vector.shape_cast %rsqrt3A : vector<1280xf32> to vector<1280x1xf32>
    %mul3A = vector.broadcast %broadcast_in_dim3A : vector<1280x1xf32> to vector<1280x128xf32>
    %mul3A_16 = arith.mulf %add3A_15, %mul3A : vector<1280x128xf32>
    %get3A_17 = arith.constant 0 : index
    %get3A_18 = arith.constant 0 : index
    %get3A_19 = vector.load %arg5[%get3A_17, %get3A_18] : memref<1x128xf32, #tpu.memory_space<vmem>>, vector<1x128xf32>
    %add3A_20 = vector.broadcast %get3A_19 : vector<1x128xf32> to vector<1280x128xf32>
    %add3A_21 = arith.addf %mul3A_16, %add3A_20 : vector<1280x128xf32>
    %max3A = arith.constant 0.000000e+00 : f32
    %max3A_22 = vector.broadcast %max3A : f32 to vector<1280x128xf32>
    %max3A_23 = arith.maximumf %add3A_21, %max3A_22 : vector<1280x128xf32>
    %swap3A = arith.constant 0 : index
    %swap3A_24 = arith.constant 0 : index
    %swap3A_25 = vector.load %arg6[%swap3A, %swap3A_24] : memref<1280x128xf32, #tpu.memory_space<vmem>>, vector<1280x128xf32>
    tpu.vector_store %arg6[%swap3A, %swap3A_24], %max3A_23 {strides = array<i32>} : memref<1280x128xf32, #tpu.memory_space<vmem>>, vector<1280x128xf32>,
    return
  }
  func.func @transform_0(%arg0: i32) -> (i32, i32) {
    %c0_i32 = arith.constant 0 : i32
    %c0_i32_0 = arith.constant 0 : i32
    return %arg0, %c0_i32 : i32, i32
  }
  func.func @transform_1(%arg0: i32) -> (i32, i32) {
    %c0_i32 = arith.constant 0 : i32
    %c0_i32_0 = arith.constant 0 : i32
    return %arg0, %c0_i32 : i32, i32
  }
  func.func @transform_2(%arg0: i32) -> (i32, i32) {
    %c0_i32 = arith.constant 0 : i32
    %c0_i32_0 = arith.constant 0 : i32
    return %arg0, %c0_i32 : i32, i32
  }
  func.func @transform_3(%arg0: i32) -> (i32, i32) {
    %c0_i32 = arith.constant 0 : i32
    %c0_i32_0 = arith.constant 0 : i32
    return %c0_i32, %arg0 : i32, i32
  }
  func.func @transform_4(%arg0: i32) -> (i32, i32) {
    %c0_i32 = arith.constant 0 : i32
    %c0_i32_0 = arith.constant 0 : i32
    %c0_i32_1 = arith.constant 0 : i32
    return %c0_i32, %c0_i32_0 : i32, i32
  }
  func.func @transform_5(%arg0: i32) -> (i32, i32) {
    %c0_i32 = arith.constant 0 : i32
    %c0_i32_0 = arith.constant 0 : i32
    return %arg0, %c0_i32 : i32, i32
  }
}

</mosaic_0001>

<sc_bundles>
// kernel: kernel.11.cloned.1.call-start
scs
__scs_entry_jumppad:
0x0: {  	(pc) =	sbr.rel $0x88, $3  }
0x1: {  	(tag) =	ssettag $0x0;
	lr =	simm.s32 $0x1  }
0x2: {  	[smem:$0x3F9B] =	sst lr;
	_ =	strace $0xD0000000  }
0x3: {  	_ = 	snop  }
0x4: {  	_ = 	snop  }
0x5: {  	_ = 	snop  }
0x6: {  	_ = 	snop  }
0x7: {  	_ = 	snop  }
__scs_overlays_trampoline_lowered:
0x8: {  	[smem:$0x3FAA] =	sst s0  }
0x9: {  	[smem:$0x3FAB] =	sst s1  }
0xa: {  	[smem:$0x3FAC] =	sst s2  }
0xb: {  	[smem:$0x3FAD] =	sst s3  }
0xc: {  	[smem:$0x3FAE] =	sst s4  }
0xd: {  	[smem:$0x3FAF] =	sst s5  }
0xe: {  	[smem:$0x3FB0] =	sst s6  }
0xf: {  	[smem:$0x3FB1] =	sst s7  }
0x10: {  	[smem:$0x3FB2] =	sst s8  }
0x11: {  	[smem:$0x3FB3] =	sst s9;
	s0 =	simm.s32 @!p0 $0x0  }
0x12: {  	s1 =	sld [smem:$0x3F99];
	s0 =	simm.s32 @p0 $0x1  }
0x13: {  	[smem:$0x3FB4] =	sst s0;
	s0 =	simm.s32 @!p1 $0x0  }
0x14: {  	s2 =	sld [smem:$0x3F98];
	s0 =	simm.s32 @p1 $0x1  }
0x15: {  	[smem:$0x3FB5] =	sst s0;
	s0 =	simm.s32 @!p2 $0x0  }
0x16: {  	s3 =	sld [smem:$0x3FDB];
	s0 =	simm.s32 @p2 $0x1  }
0x17: {  	s4 =	simm.s32 $0x1BF5;
	[smem:$0x3FB7] =	sst s0  }
0x18: {  	s0 =	sld [smem:$0x3F9A];
	_ =	swait.ge [sflag:s4], $0x0  }
0x19: {  	s7 =	sld [smem:$0x3F9B]  }
0x1a: {  	s8 =	sadd.s32 $0xFFFFE003, lr  }
0x1b: {  	s9 =	sadd.s32 $0xFFFFFEF7, lr;
	s5 =	simm.s32 $0xFFFFFFFF;
	p2 =	slt.u32 s8, $0xFFFFF086  }
0x1c: {  	p1 =	slt.u32 s9, $0xF7A;
	s5 =	simm.s32 @!p2 $0x0  }
0x1d: {  	s5 =	simm.s32 @p1 $0x1;
	p0 =	seq.s32 s7, s2  }
0x1e: {  	s7 =	smul.u32 @!p0 $0xF7A, s2;
	p2 =	seq.s32 @!p0 s5, $0x0  }
0x1f: {  	s9 =	smul.u32 $0xF7A, s1;
	s8 =	simm.s32 @!p0 $0x1BF5;
	p2 =	por !p2, p0  }
0x20: {  	[sflag:s8] =	ssyncset.s32 @!p0 $0xFFFFF086;
	s6 =	sadd.s32 @!p0 s3, s7;
	s7 =	simm.s32 @!p0 $0x108  }
0x21: {  	s3 =	sadd.s32 s3, s9;
	s6 =	sadd.s32 @!p0 $0x88, s6;
	s7 =	simm.s32 @p2 $0x1082  }
0x22: {  	[simem:s7], [sflag:s8] =	dma.local @!p0 [hbm:s6], $0xF7A  }
0x23: {  	s9 =	sor.u32 $0xD0000000, s2;
	s6 =	simm.s32 $0x108;
	_ =	swait.ge @!p0 [sflag:s8], $0x0  }
0x24: {  	s3 =	sadd.s32 $0x88, s3;
	s6 =	simm.s32 @!p1 $0x1082;
	[sflag:s4] =	ssyncset.s32 $0xFFFFF086  }
0x25: {  	[simem:s6], [sflag:s4] =	dma.local [hbm:s3], $0xF7A  }
0x26: {  	[smem:$0x3F9B] =	sst s1;
	(tag) =	ssettag s2;
	_ =	strace s9  }
0x27: {  	s1 =	sld [smem:$0x3FAB]  }
0x28: {  	s2 =	sld [smem:$0x3FAC]  }
0x29: {  	s4 =	sld [smem:$0x3FAE]  }
0x2a: {  	p0 =	seq.s32 s5, $0x0;
	s5 =	sld [smem:$0x3FAF]  }
0x2b: {  	s6 =	sld [smem:$0x3FB0]  }
0x2c: {  	s7 =	sld [smem:$0x3FB1]  }
0x2d: {  	s3 =	simm.s32 $0x108;
	s8 =	sld [smem:$0x3FB2]  }
0x2e: {  	s3 =	simm.s32 @!p0 $0x1082;
	s9 =	sld [smem:$0x3FB3]  }
0x2f: {  	lr =	sadd.s32 s0, s3;
	s0 =	sld [smem:$0x3FAA]  }
0x30: {  	s3 =	sld [smem:$0x3FAD]  }
0x31: {  	[smem:$0x3FB6] =	sst s10  }
0x32: {  	s10 =	sld [smem:$0x3FB4];
	_ =	sdelay $0x3  }
0x33: {  	p0 =	seq.s32 s10, $0x1;
	s10 =	sld [smem:$0x3FB6];
	_ =	sdelay $0x3  }
0x34: {  	[smem:$0x3FB6] =	sst s10  }
0x35: {  	s10 =	sld [smem:$0x3FB5];
	_ =	sdelay $0x3  }
0x36: {  	p1 =	seq.s32 s10, $0x1;
	s10 =	sld [smem:$0x3FB6];
	_ =	sdelay $0x3  }
0x37: {  	[smem:$0x3FB6] =	sst s10  }
0x38: {  	s10 =	sld [smem:$0x3FB7]  }
0x39: {  	_ = 	snop;
	(pc) =	sbr.ind lr, $3  }
0x3a: {  	_ = 	snop  }
0x3b: {  	_ = 	snop  }
0x3c: {  	p2 =	seq.s32 s10, $0x1;
	s10 =	sld [smem:$0x3FB6]  }
0x3d: {  	_ =	shalt  }
0x3e: {  	_ =	shalt  }
0x3f: {  	_ =	shalt  }
0x40: {  	_ =	shalt  }
0x41: {  	_ =	shalt  }
0x42: {  	_ =	shalt  }
0x43: {  	_ =	shalt  }
0x44: {  	_ =	shalt  }
0x45: {  	_ =	shalt  }
0x46: {  	_ =	shalt  }
0x47: {  	_ =	shalt  }
0x48: {  	_ =	shalt  }
0x49: {  	_ =	shalt  }
0x4a: {  	_ =	shalt  }
0x4b: {  	_ =	shalt  }
0x4c: {  	_ =	shalt  }
0x4d: {  	_ =	shalt  }
0x4e: {  	_ =	shalt  }
0x4f: {  	_ =	shalt  }
0x50: {  	_ =	shalt  }
0x51: {  	_ =	shalt  }
0x52: {  	_ =	shalt  }
0x53: {  	_ =	shalt  }
0x54: {  	_ =	shalt  }
0x55: {  	_ =	shalt  }
0x56: {  	_ =	shalt  }
0x57: {  	_ =	shalt  }
0x58: {  	_ =	shalt  }
0x59: {  	_ =	shalt  }
0x5a: {  	_ =	shalt  }
0x5b: {  	_ =	shalt  }
0x5c: {  	_ =	shalt  }
0x5d: {  	_ =	shalt  }
0x5e: {  	_ =	shalt  }
0x5f: {  	_ =	shalt  }
0x60: {  	_ =	shalt  }
0x61: {  	_ =	shalt  }
0x62: {  	_ =	shalt  }
0x63: {  	_ =	shalt  }
0x64: {  	_ =	shalt  }
0x65: {  	_ =	shalt  }
0x66: {  	_ =	shalt  }
0x67: {  	_ =	shalt  }
0x68: {  	_ =	shalt  }
0x69: {  	_ =	shalt  }
0x6a: {  	_ =	shalt  }
0x6b: {  	_ =	shalt  }
0x6c: {  	_ =	shalt  }
0x6d: {  	_ =	shalt  }
0x6e: {  	_ =	shalt  }
0x6f: {  	_ =	shalt  }
0x70: {  	_ =	shalt  }
0x71: {  	_ =	shalt  }
0x72: {  	_ =	shalt  }
0x73: {  	_ =	shalt  }
0x74: {  	_ =	shalt  }
0x75: {  	_ =	shalt  }
0x76: {  	_ =	shalt  }
0x77: {  	_ =	shalt  }
0x78: {  	_ =	shalt  }
0x79: {  	_ =	shalt  }
0x7a: {  	_ =	shalt  }
0x7b: {  	_ =	shalt  }
0x7c: {  	_ =	shalt  }
0x7d: {  	_ =	shalt  }
0x7e: {  	_ =	shalt  }
0x7f: {  	_ =	shalt  }
0x80: {  	_ =	shalt  }
0x81: {  	_ =	shalt  }
0x82: {  	_ =	shalt  }
0x83: {  	_ =	shalt  }
0x84: {  	_ =	shalt  }
0x85: {  	_ =	shalt  }
0x86: {  	_ =	shalt  }
0x87: {  	_ =	shalt  }
.Lfunc_end0:
.L_simem_size_0:
called_computation.1_lowered:
.L_overlay_start_0:
0x88: {  	s2 =	sld [smem:$0x3FD9]  }
0x89: {  	s3 =	sld [smem:$0x3FFE];
	_ =	sdelay $0x1  }
0x8a: {  	s1 =	srdreg.scid  }
0x8b: {  	s0 =	sand.u32 $0x1, s1  }
0x8c: {  	s17 =	sshll.u32 s0, $0xA;
	s2 =	sadd.s32 s3, s2  }
0x8d: {  	s2 =	sadd.s32 s2, s17  }
0x8e: {  	[smem:$0x3FC2] =	sst s2  }
0x8f: {  	_ = 	snop  }
0x90: {  	s2 =	sld [smem:$0x3FD0];
	(tm) =	ssettm $0x1  }
0x91: {  	s18 =	sld [smem:$0x3FFB];
	_ =	sdelay $0x3  }
0x92: {  	_ =	strace s18  }
0x93: {  	s3 =	sld [smem:$0x3FFC];
	_ =	sdelay $0x3  }
0x94: {  	_ =	strace s3  }
0x95: {  	s3 =	sld [smem:$0x3FFD];
	_ =	sdelay $0x3  }
0x96: {  	_ =	strace s3  }
0x97: {  	_ =	strace $0x8FFFFFFF  }
0x98: {  	s19 =	sld [smem:$0x3FDB];
	_ =	sdelay $0x1  }
0x99: {  	s4 =	simm.s32 $_scs_section_size  }
0x9a: {  	s5 =	simm.s32 $_size__tile_overlayer_lowered;
	s6 =	simm.s32 $_tile_overlayer_lowered  }
0x9b: {  	s22 =	simm.s32 $0x1BFF;
	s21 =	sshll.u32 s6, $0x1;
	s3 =	sadd.s32 s4, s19  }
0x9c: {  	s7 =	simm.s32 $0x0;
	s20 =	sshll.u32 s5, $0x1;
	s5 =	sadd.s32 s21, s3  }
0x9d: {  	[timem:s7], [sflag:s22] =	dma.local [hbm:s5], s20  }
0x9e: {  	_ =	swait.ge [sflag:s22], s20  }
0x9f: {  	s4 =	ssub.s32 $0x0, s20;
	[sflag:s22] =	ssyncset.done $0x0  }
0xa0: {  	[sflag:s22] =	ssyncadd.s32 s4;
	_ =	sdelay $0x1  }
0xa1: {  	s23 =	simm.s32 $0x1B8B  }
0xa2: {  	_ =	swait.ge [sflag:s23], $0x1  }
0xa3: {  	[sflag:s23] =	ssyncset.done $0x0  }
0xa4: {  	s25 =	simm.s32 $0x1B8E;
	s24 =	sld [smem:$0x3FFE];
	[sflag:s23] =	ssyncadd.s32 $0xFFFFFFFF  }
0xa5: {  	s26 =	simm.s32 $execute0_lowered;
	[smem:$0x3FD2] =	sst s25  }
0xa6: {  	s5 =	sshll.u32 s26, $0x1;
	_ =	strace $0x80000049;
	[dreg:$0x1] =	wrdreg $0xFFFFFFFF  }
0xa7: {  	s28 =	simm.s32 $_size_execute0_lowered;
	s3 =	sadd.s32 s3, s5;
	[dreg:$0x0] =	wrdreg $0x0  }
0xa8: {  	s5 =	sshll.u32 s28, $0x1;
	[dreg:$0x2] =	wrdreg s3  }
0xa9: {  	[dreg:$0x3] =	wrdreg s5  }
0xaa: {  	[dreg:$0x4] =	wrdreg $0xC0  }
0xab: {  	_ =	task [dreg:s7], $0x5FFFF  }
0xac: {  	[dreg:$0x1] =	wrdreg $0xFFFFFFFF  }
0xad: {  	[dreg:$0x0] =	wrdreg $0x60  }
0xae: {  	[dreg:$0x2] =	wrdreg s24  }
0xaf: {  	[dreg:$0x3] =	wrdreg s2  }
0xb0: {  	[dreg:$0x4] =	wrdreg $0x90000  }
0xb1: {  	[dreg:$0x5] =	wrdreg $0x9  }
0xb2: {  	_ =	task.clear_ibuf [dreg:s7], $0x6FFFF;
	_ =	strace $0x90000049  }
0xb3: {  	s29 =	simm.s32 $0x9;
	_ =	strace $0x8000004B  }
0xb4: {  	_ =	swait.ge [sflag:s29], $0x1  }
0xb5: {  	[sflag:s29] =	ssyncadd.s32 $0xFFFFFFFF  }
0xb6: {  	_ =	strace $0x9000004B  }
0xb7: {  	_ =	sfence  }
0xb8: {  	s30 =	sld [smem:$0x0];
	_ =	sdelay $0x2  }
0xb9: {  	s31 =	sshll.u32 s1, $0xD;
	s1 =	sshrl.u32 s1, $0x2  }
0xba: {  	s3 =	sand.u32 $0x4000, s31;
	s1 =	sadd.s32 s1, s30  }
0xbb: {  	s0 =	sor.u32 s3, s0;
	s1 =	sshll.u32 s1, $0x11  }
0xbc: {  	s0 =	sor.u32 s1, s0  }
0xbd: {  	s0 =	sadd.s32 $0x8F2B, s0  }
0xbe: {  	[sflag:s0] =	ssyncadd.remote.s32 $0x1  }
0xbf: {  	_ =	sfence.sel $0xFFFF  }
0xc0: {  	[dreg:$0x0] =	wrdreg $0xFFFFFFFF;
	(pc) =	sbr.abs _section_cstart, $3  }
0xc1: {  	[dreg:$0x1] =	wrdreg $0xFFFFFFFF  }
0xc2: {  	_ =	task.clear_ibuf [dreg:s7], $0x2FFFF;
	_ =	strace $0x9FFFFFFF  }
0xc3: {  	(tm) =	ssettm $0x7FFFFFFF  }
tec
execute0_lowered:
.L_overlay_start_1:
0x0: {  	(tag) =	ssettag $0x1  }
0x1: {  	s13 =	rddreg [dreg:$0x0]  }
0x2: {  	s1 =	rddreg [dreg:$0x1]  }
0x3: {  	s2 =	rddreg [dreg:$0x2];
	s3 =	simm.s32 $0x0;
	s6 =	srdreg.scid  }
0x4: {  	s0 =	stileid.u32;
	s20 =	simm.s32 $0x1000;
	s21 =	simm.s32 $0x4  }
0x5: {  	s22 =	simm.s32 $0x2;
	s23 =	simm.s32 $0x3;
	s24 =	simm.s32 $0x0  }
0x6: {  	[smem:$0x7FF] =	sst s3;
	s5 =	sadd.s32 $0xD800, s13;
	s9 =	smul.u32 $0x50000, s0  }
0x7: {  	s11 =	sand.u32 $0x1, s6;
	s6 =	sadd.s32 $0x3800, s13;
	s8 =	smul.u32 $0x5000, s0  }
0x8: {  	s7 =	sadd.s32 $0x35800, s13;
	s18 =	smul.u32 $0x2800, s0;
	_ =	strace $0x8000004A  }
0x9: {  	s10 =	ssub.s32 $0x2, s11;
	s15 =	smul.u32 $0x2800, s11;
	p0 =	seq.s32 s11, $0x1  }
0xa: {  	s11 =	smul.u32 $0x50, s11;
	s12 =	sshrl.u32 s10, $0x1;
	s14 =	sshrl.u32 s9, $0x2  }
0xb: {  	s9 =	sshll.u32 s0, $0x6;
	s16 =	ssub.s32 s10, s12;
	s17 =	sadd.s32 s14, s2  }
.Ltmp0:
0xc: {  	s31 =	sadd.s32 s15, s8;
	s14 =	simm.s32 $0x60000;
	(pc) =	sbr.rel .LBB2_1-.Ltmp0, $4  }
0xd: {  	s10 =	sor.u32 $0x1C04, s9;
	s15 =	sshrl.u32 s31, $0x3;
	s14 =	simm.s32 @!p0 $0x38000  }
0xe: {  	s12 =	sadd.s32 s1, s15;
	s19 =	sadd.s32 s14, s13;
	s13 =	sadd.s32 s6, s15  }
0xf: {  	s14 =	smax.u32 s16, $0x1;
	s16 =	sshrl.u32 s17, $0x3;
	s17 =	simm.s32 $0x5  }
0x10: {  	s15 =	sadd.s32 s19, s18;
	s18 =	simm.s32 $0x400;
	s19 =	simm.s32 $0x80  }
.LBB2_7:
0x11: {  	_ =	swait.ge [sflag:s23], $0x4000  }
0x12: {  	s24 =	sadd.s32 $0x1, s24;
	[sflag:s23] =	ssyncset.done $0x0  }
0x13: {  	p0 =	sne.s32 s24, s14;
	[sflag:s23] =	ssyncadd.s32 $0xFFFFC000  }
.Ltmp1:
0x14: {  	s0 =	sor.u32 $0x1C05, s9;
	[bflag:$0x0] =	sbarrier.arrive $0xFFFF;
	(pc) =	sbr.rel @!p0 .LBB2_8-.Ltmp1, $4  }
0x15: {  	[hbm:s15], [sflag:s0] =	dma.local [spmem:s16], $0x2800  }
0x16: {  	_ =	swait.ge [sflag:s17], $0x2800  }
0x17: {  	[sflag:s17] =	ssyncset.done $0x0  }
0x18: {  	[sflag:s17] =	ssyncadd.s32 $0xFFFFD800  }
.LBB2_1:
0x19: {  	[spmem:s16], [sflag:s10] =	dma.local [hbm:s7], $0x2800  }
0x1a: {  	[tilespmem:s3], [sflag:$0x5] =	stream.linear.gather [hbm4b:s12+s3], $0x400, $0x38;
	[tilespmem:$0x1D000] =	vst v63  }
0x1b: {  	_ =	swait.ge [sflag:s17], $0x400  }
0x1c: {  	[sflag:s17] =	ssyncset.done $0x0  }
0x1d: {  	[sflag:s17] =	ssyncadd.s32 $0xFFFFFC00  }
0x1e: {  	[tilespmem:s18], [sflag:$0x5] =	stream.linear.gather [hbm4b:s13+s3], $0x400, $0x38;
	[tilespmem:$0x1D000] =	vst v63  }
0x1f: {  	_ =	swait.ge [sflag:s17], $0x400  }
0x20: {  	[sflag:s17] =	ssyncset.done $0x0  }
0x21: {  	[sflag:s17] =	ssyncadd.s32 $0xFFFFFC00  }
0x22: {  	[tilespmem:s20], [sflag:$0x2] =	stream.indirect.gather [hbm4b:s5+s19], $0x80, s3, s19, $0xb8;
	[tilespmem:$0x1D000] =	vst v63  }
.Ltmp2:
0x23: {  	_ =	swait.ge [sflag:s21], $0x2800;
	(pc) =	sbr.rel .LBB2_2-.Ltmp2, $4  }
0x24: {  	[sflag:s21] =	ssyncset.done $0x0  }
0x25: {  	[sflag:s21] =	ssyncadd.s32 $0xFFFFD800  }
0x26: {  	[bflag:$0x0] =	sbarrier.arrive $0xFFFF  }
0x27: {  	s25 =	simm.s32 $0x0  }
.LBB2_3:
0x28: {  	s29 =	sadd.s32 $0x1, s28  }
0x29: {  	s30 =	sshll.u32 s29, $0xA  }
0x2a: {  	s30 =	sadd.s32 s8, s30  }
0x2b: {  	s29 =	sshll.u32 s29, $0xB;
	s30 =	sshrl.u32 s30, $0x3  }
0x2c: {  	s29 =	sand.u32 $0x800, s29;
	s31 =	sadd.s32 s1, s30  }
0x2d: {  	[tilespmem:s29], [sflag:$0x1] =	stream.linear.gather [hbm4b:s31+s3], $0x400, $0x38;
	[tilespmem:$0x1D000] =	vst v63  }
0x2e: {  	s30 =	sadd.s32 s6, s30;
	s29 =	sor.u32 $0x400, s29  }
0x2f: {  	[tilespmem:s29], [sflag:$0x1] =	stream.linear.gather [hbm4b:s30+s3], $0x400, $0x38;
	[tilespmem:$0x1D000] =	vst v63  }
.LBB2_5:
0x30: {  	s29 =	sadd.s32 $0x1, s25  }
0x31: {  	p0 =	slt.u32 s25, $0x7;
	s30 =	sand.u32 $0x7, s29  }
0x32: {  	p1 =	sne.s32 @!p0 s30, $0x0  }
0x33: {  	p0 =	por p1, p0  }
0x34: {  	s31 =	simm.s32 @!p0 $0x1  }
0x35: {  	_ =	swait.ge @!p0 [sflag:s31], $0x400  }
0x36: {  	[sflag:s31] =	ssyncset.done @!p0 $0x0  }
0x37: {  	s0 =	sshll.u32 s29, $0xE;
	[sflag:s31] =	ssyncadd.s32 @!p0 $0xFFFFFC00  }
0x38: {  	s4 =	sshll.u32 s29, $0x8;
	s0 =	sand.u32 $0x4000, s0;
	_ =	swait.ge @!p0 [sflag:s31], $0x400  }
0x39: {  	s4 =	sand.u32 $0x800, s4;
	s30 =	sshll.u32 s30, $0x7;
	[sflag:s31] =	ssyncset.done @!p0 $0x0  }
0x3a: {  	s0 =	sor.u32 $0x1000, s0;
	s4 =	sor.u32 s30, s4;
	[sflag:s31] =	ssyncadd.s32 @!p0 $0xFFFFFC00  }
0x3b: {  	[tilespmem:s0], [sflag:$0x2] =	stream.indirect.gather [hbm4b:s5+s19], $0x80, s4, s19, $0xb8;
	[tilespmem:$0x1D000] =	vst v63  }
.LBB2_6:
0x3c: {  	_ =	swait.ge [sflag:s22], $0x4000;
	p0 =	slt.u32 s29, $0x50  }
.Ltmp3:
0x3d: {  	s0 =	sshll.u32 s28, $0xB;
	s4 =	sshll.u32 s25, $0xE;
	(pc) =	sbr.rel @!p0 .LBB2_7-.Ltmp3, $4  }
0x3e: {  	s31 =	sshll.u32 s26, $0x7;
	s25 =	smov.u32 s29;
	s0 =	sand.u32 $0x800, s0  }
0x3f: {  	[sflag:s22] =	ssyncset.done $0x0;
	s4 =	sand.u32 $0x4000, s4;
	s0 =	sor.u32 s31, s0  }
0x40: {  	[sflag:s22] =	ssyncadd.s32 $0xFFFFC000;
	s4 =	sor.u32 $0x1000, s4;
	s0 =	sor.u32 $0x400, s0  }
0x41: {  	[spmem:s2] =	stream.indirect.scatter.add.f32 [tilespmem:s4], [sflag:$0x3], $0x80, s0, s19, $0xb8;
	[tilespmem:$0x1D000] =	vst v63  }
.LBB2_2:
0x42: {  	p0 =	seq.s32 s25, $0x0  }
0x43: {  	s28 =	sadd.s32 s11, s25;
	s26 =	sand.u32 $0x7, s25;
	p1 =	sgt.u32 @!p0 s25, $0x47  }
0x44: {  	p2 =	seq.s32 s28, $0x0;
	p3 =	sne.s32 s26, $0x0;
	p4 =	por p1, p0  }
0x45: {  	p2 =	por !p2, !p3;
	p3 =	sne.s32 @!p4 s26, $0x0  }
0x46: {  	p1 =	por @!p0 p1, p3  }
0x47: {  	p1 =	por p0, !p1  }
.Ltmp4:
0x48: {  	_ = 	snop;
	(pc) =	sbr.rel @p1 .LBB2_3-.Ltmp4, $4  }
0x49: {  	s29 =	simm.s32 @!p0 $0x3  }
0x4a: {  	s30 =	simm.s32 $0x1;
	_ =	swait.ge @!p0 [sflag:s29], $0x4000;
	p2 =	por !p2, !p2  }
0x4b: {  	s28 =	sshrl.u32 s28, $0x3;
	[sflag:s29] =	ssyncset.done @!p0 $0x0;
	s30 =	simm.s32 @!p2 $0x0  }
0x4c: {  	[sflag:s29] =	ssyncadd.s32 @!p0 $0xFFFFC000;
	s28 =	ssub.s32 s28, s30  }
0x4d: {  	p0 =	seq.s32 s25, $0x4F  }
.Ltmp5:
0x4e: {  	_ = 	snop;
	(pc) =	sbr.rel @p0 .LBB2_6-.Ltmp5, $4  }
.Ltmp6:
0x4f: {  	_ = 	snop;
	(pc) =	sbr.rel @!p0 .LBB2_5-.Ltmp6, $4  }
0x50: {  	_ = 	snop  }
0x51: {  	_ = 	snop  }
0x52: {  	s29 =	simm.s32 $0x50  }
0x53: {  	_ = 	snop  }
.LBB2_8:
0x54: {  	_ =	sfence.sel $0x180000  }
0x55: {  	[bflag:$0x0] =	sbarrier.arrive $0xFFFF  }
0x56: {  	_ =	strace $0x9000004A  }
0x57: {  	s0 =	stileid.u32;
	[bflag:$0x2] =	sbarrier.arrive $0xFFFF  }
0x58: {  	p0 =	sne.s32 s0, $0x0;
	s0 =	rddreg [dreg:$0x3]  }
0x59: {  	s0 =	sadd.s32 @!p0 $0x100000, s0  }
0x5a: {  	[sflag:s0] =	ssyncadd.tile.s32 @!p0 $0x1;
	_ =	shalt  }
.Lfunc_end2:
_tile_overlayer_lowered:
.L_overlay_start_2:
0x5b: {  	(tag) =	ssettag $0x2  }
0x5c: {  	s0 =	rddreg [dreg:$0x0];
	s2 =	stileid.u32  }
0x5d: {  	s1 =	rddreg [dreg:$0x1];
	p0 =	sne.s32 s2, $0x0  }
0x5e: {  	s3 =	rddreg [dreg:$0x2];
	[bflag:$0x3] =	sbarrier.arrive $0xFFFF;
	s2 =	simm.s32 @!p0 $0x1C05  }
0x5f: {  	[timem:s3], [sflag:s2] =	dma.local @!p0 [hbm:s0], s1  }
0x60: {  	s0 =	simm.s32 @!p0 $0x5  }
0x61: {  	_ =	swait.ge @!p0 [sflag:s0], s1  }
0x62: {  	s1 =	ssub.s32 @!p0 $0x0, s1;
	[sflag:s0] =	ssyncset.done @!p0 $0x0  }
0x63: {  	[sflag:s0] =	ssyncadd.s32 @!p0 s1  }
0x64: {  	[bflag:$0x3] =	sbarrier.arrive $0xFFFF  }
0x65: {  	_ =	shalt  }

// kernel: kernel.14.cloned.1.call-start
scs
__scs_entry_jumppad:
0x0: {  	(pc) =	sbr.rel $0x88, $3  }
0x1: {  	(tag) =	ssettag $0x0;
	lr =	simm.s32 $0x1  }
0x2: {  	[smem:$0x3F9B] =	sst lr;
	_ =	strace $0xD0000000  }
0x3: {  	_ = 	snop  }
0x4: {  	_ = 	snop  }
0x5: {  	_ = 	snop  }
0x6: {  	_ = 	snop  }
0x7: {  	_ = 	snop  }
__scs_overlays_trampoline_lowered:
0x8: {  	[smem:$0x3FAA] =	sst s0  }
0x9: {  	[smem:$0x3FAB] =	sst s1  }
0xa: {  	[smem:$0x3FAC] =	sst s2  }
0xb: {  	[smem:$0x3FAD] =	sst s3  }
0xc: {  	[smem:$0x3FAE] =	sst s4  }
0xd: {  	[smem:$0x3FAF] =	sst s5  }
0xe: {  	[smem:$0x3FB0] =	sst s6  }
0xf: {  	[smem:$0x3FB1] =	sst s7  }
0x10: {  	[smem:$0x3FB2] =	sst s8  }
0x11: {  	[smem:$0x3FB3] =	sst s9;
	s0 =	simm.s32 @!p0 $0x0  }
0x12: {  	s1 =	sld [smem:$0x3F99];
	s0 =	simm.s32 @p0 $0x1  }
0x13: {  	[smem:$0x3FB4] =	sst s0;
	s0 =	simm.s32 @!p1 $0x0  }
0x14: {  	s2 =	sld [smem:$0x3F98];
	s0 =	simm.s32 @p1 $0x1  }
0x15: {  	[smem:$0x3FB5] =	sst s0;
	s0 =	simm.s32 @!p2 $0x0  }
0x16: {  	s3 =	sld [smem:$0x3FDB];
	s0 =	simm.s32 @p2 $0x1  }
0x17: {  	s4 =	simm.s32 $0x1BF5;
	[smem:$0x3FB7] =	sst s0  }
0x18: {  	s0 =	sld [smem:$0x3F9A];
	_ =	swait.ge [sflag:s4], $0x0  }
0x19: {  	s7 =	sld [smem:$0x3F9B]  }
0x1a: {  	s8 =	sadd.s32 $0xFFFFE003, lr  }
0x1b: {  	s9 =	sadd.s32 $0xFFFFFEF7, lr;
	s5 =	simm.s32 $0xFFFFFFFF;
	p2 =	slt.u32 s8, $0xFFFFF086  }
0x1c: {  	p1 =	slt.u32 s9, $0xF7A;
	s5 =	simm.s32 @!p2 $0x0  }
0x1d: {  	s5 =	simm.s32 @p1 $0x1;
	p0 =	seq.s32 s7, s2  }
0x1e: {  	s7 =	smul.u32 @!p0 $0xF7A, s2;
	p2 =	seq.s32 @!p0 s5, $0x0  }
0x1f: {  	s9 =	smul.u32 $0xF7A, s1;
	s8 =	simm.s32 @!p0 $0x1BF5;
	p2 =	por !p2, p0  }
0x20: {  	[sflag:s8] =	ssyncset.s32 @!p0 $0xFFFFF086;
	s6 =	sadd.s32 @!p0 s3, s7;
	s7 =	simm.s32 @!p0 $0x108  }
0x21: {  	s3 =	sadd.s32 s3, s9;
	s6 =	sadd.s32 @!p0 $0x88, s6;
	s7 =	simm.s32 @p2 $0x1082  }
0x22: {  	[simem:s7], [sflag:s8] =	dma.local @!p0 [hbm:s6], $0xF7A  }
0x23: {  	s9 =	sor.u32 $0xD0000000, s2;
	s6 =	simm.s32 $0x108;
	_ =	swait.ge @!p0 [sflag:s8], $0x0  }
0x24: {  	s3 =	sadd.s32 $0x88, s3;
	s6 =	simm.s32 @!p1 $0x1082;
	[sflag:s4] =	ssyncset.s32 $0xFFFFF086  }
0x25: {  	[simem:s6], [sflag:s4] =	dma.local [hbm:s3], $0xF7A  }
0x26: {  	[smem:$0x3F9B] =	sst s1;
	(tag) =	ssettag s2;
	_ =	strace s9  }
0x27: {  	s1 =	sld [smem:$0x3FAB]  }
0x28: {  	s2 =	sld [smem:$0x3FAC]  }
0x29: {  	s4 =	sld [smem:$0x3FAE]  }
0x2a: {  	p0 =	seq.s32 s5, $0x0;
	s5 =	sld [smem:$0x3FAF]  }
0x2b: {  	s6 =	sld [smem:$0x3FB0]  }
0x2c: {  	s7 =	sld [smem:$0x3FB1]  }
0x2d: {  	s3 =	simm.s32 $0x108;
	s8 =	sld [smem:$0x3FB2]  }
0x2e: {  	s3 =	simm.s32 @!p0 $0x1082;
	s9 =	sld [smem:$0x3FB3]  }
0x2f: {  	lr =	sadd.s32 s0, s3;
	s0 =	sld [smem:$0x3FAA]  }
0x30: {  	s3 =	sld [smem:$0x3FAD]  }
0x31: {  	[smem:$0x3FB6] =	sst s10  }
0x32: {  	s10 =	sld [smem:$0x3FB4];
	_ =	sdelay $0x3  }
0x33: {  	p0 =	seq.s32 s10, $0x1;
	s10 =	sld [smem:$0x3FB6];
	_ =	sdelay $0x3  }
0x34: {  	[smem:$0x3FB6] =	sst s10  }
0x35: {  	s10 =	sld [smem:$0x3FB5];
	_ =	sdelay $0x3  }
0x36: {  	p1 =	seq.s32 s10, $0x1;
	s10 =	sld [smem:$0x3FB6];
	_ =	sdelay $0x3  }
0x37: {  	[smem:$0x3FB6] =	sst s10  }
0x38: {  	s10 =	sld [smem:$0x3FB7]  }
0x39: {  	_ = 	snop;
	(pc) =	sbr.ind lr, $3  }
0x3a: {  	_ = 	snop  }
0x3b: {  	_ = 	snop  }
0x3c: {  	p2 =	seq.s32 s10, $0x1;
	s10 =	sld [smem:$0x3FB6]  }
0x3d: {  	_ =	shalt  }
0x3e: {  	_ =	shalt  }
0x3f: {  	_ =	shalt  }
0x40: {  	_ =	shalt  }
0x41: {  	_ =	shalt  }
0x42: {  	_ =	shalt  }
0x43: {  	_ =	shalt  }
0x44: {  	_ =	shalt  }
0x45: {  	_ =	shalt  }
0x46: {  	_ =	shalt  }
0x47: {  	_ =	shalt  }
0x48: {  	_ =	shalt  }
0x49: {  	_ =	shalt  }
0x4a: {  	_ =	shalt  }
0x4b: {  	_ =	shalt  }
0x4c: {  	_ =	shalt  }
0x4d: {  	_ =	shalt  }
0x4e: {  	_ =	shalt  }
0x4f: {  	_ =	shalt  }
0x50: {  	_ =	shalt  }
0x51: {  	_ =	shalt  }
0x52: {  	_ =	shalt  }
0x53: {  	_ =	shalt  }
0x54: {  	_ =	shalt  }
0x55: {  	_ =	shalt  }
0x56: {  	_ =	shalt  }
0x57: {  	_ =	shalt  }
0x58: {  	_ =	shalt  }
0x59: {  	_ =	shalt  }
0x5a: {  	_ =	shalt  }
0x5b: {  	_ =	shalt  }
0x5c: {  	_ =	shalt  }
0x5d: {  	_ =	shalt  }
0x5e: {  	_ =	shalt  }
0x5f: {  	_ =	shalt  }
0x60: {  	_ =	shalt  }
0x61: {  	_ =	shalt  }
0x62: {  	_ =	shalt  }
0x63: {  	_ =	shalt  }
0x64: {  	_ =	shalt  }
0x65: {  	_ =	shalt  }
0x66: {  	_ =	shalt  }
0x67: {  	_ =	shalt  }
0x68: {  	_ =	shalt  }
0x69: {  	_ =	shalt  }
0x6a: {  	_ =	shalt  }
0x6b: {  	_ =	shalt  }
0x6c: {  	_ =	shalt  }
0x6d: {  	_ =	shalt  }
0x6e: {  	_ =	shalt  }
0x6f: {  	_ =	shalt  }
0x70: {  	_ =	shalt  }
0x71: {  	_ =	shalt  }
0x72: {  	_ =	shalt  }
0x73: {  	_ =	shalt  }
0x74: {  	_ =	shalt  }
0x75: {  	_ =	shalt  }
0x76: {  	_ =	shalt  }
0x77: {  	_ =	shalt  }
0x78: {  	_ =	shalt  }
0x79: {  	_ =	shalt  }
0x7a: {  	_ =	shalt  }
0x7b: {  	_ =	shalt  }
0x7c: {  	_ =	shalt  }
0x7d: {  	_ =	shalt  }
0x7e: {  	_ =	shalt  }
0x7f: {  	_ =	shalt  }
0x80: {  	_ =	shalt  }
0x81: {  	_ =	shalt  }
0x82: {  	_ =	shalt  }
0x83: {  	_ =	shalt  }
0x84: {  	_ =	shalt  }
0x85: {  	_ =	shalt  }
0x86: {  	_ =	shalt  }
0x87: {  	_ =	shalt  }
.Lfunc_end0:
.L_simem_size_0:
called_computation.2_lowered:
.L_overlay_start_0:
0x88: {  	s2 =	sld [smem:$0x3FD9]  }
0x89: {  	s3 =	sld [smem:$0x3FFE];
	_ =	sdelay $0x1  }
0x8a: {  	s1 =	srdreg.scid  }
0x8b: {  	s0 =	sand.u32 $0x1, s1  }
0x8c: {  	s17 =	sshll.u32 s0, $0xA;
	s2 =	sadd.s32 s3, s2  }
0x8d: {  	s2 =	sadd.s32 s2, s17  }
0x8e: {  	[smem:$0x3FC2] =	sst s2  }
0x8f: {  	_ = 	snop  }
0x90: {  	s2 =	sld [smem:$0x3FD0];
	(tm) =	ssettm $0x1  }
0x91: {  	s18 =	sld [smem:$0x3FFB];
	_ =	sdelay $0x3  }
0x92: {  	_ =	strace s18  }
0x93: {  	s3 =	sld [smem:$0x3FFC];
	_ =	sdelay $0x3  }
0x94: {  	_ =	strace s3  }
0x95: {  	s3 =	sld [smem:$0x3FFD];
	_ =	sdelay $0x3  }
0x96: {  	_ =	strace s3  }
0x97: {  	_ =	strace $0x8FFFFFFF  }
0x98: {  	s19 =	sld [smem:$0x3FDB];
	_ =	sdelay $0x1  }
0x99: {  	s4 =	simm.s32 $_scs_section_size  }
0x9a: {  	s5 =	simm.s32 $_size__tile_overlayer_lowered;
	s6 =	simm.s32 $_tile_overlayer_lowered  }
0x9b: {  	s22 =	simm.s32 $0x1BFF;
	s21 =	sshll.u32 s6, $0x1;
	s3 =	sadd.s32 s4, s19  }
0x9c: {  	s7 =	simm.s32 $0x0;
	s20 =	sshll.u32 s5, $0x1;
	s5 =	sadd.s32 s21, s3  }
0x9d: {  	[timem:s7], [sflag:s22] =	dma.local [hbm:s5], s20  }
0x9e: {  	_ =	swait.ge [sflag:s22], s20  }
0x9f: {  	s4 =	ssub.s32 $0x0, s20;
	[sflag:s22] =	ssyncset.done $0x0  }
0xa0: {  	[sflag:s22] =	ssyncadd.s32 s4;
	_ =	sdelay $0x1  }
0xa1: {  	s23 =	simm.s32 $0x1B8B  }
0xa2: {  	_ =	swait.ge [sflag:s23], $0x1  }
0xa3: {  	[sflag:s23] =	ssyncset.done $0x0  }
0xa4: {  	s25 =	simm.s32 $0x1B8E;
	s24 =	sld [smem:$0x3FFE];
	[sflag:s23] =	ssyncadd.s32 $0xFFFFFFFF  }
0xa5: {  	s26 =	simm.s32 $execute0_lowered;
	[smem:$0x3FD2] =	sst s25  }
0xa6: {  	s5 =	sshll.u32 s26, $0x1;
	_ =	strace $0x8000004C;
	[dreg:$0x1] =	wrdreg $0xFFFFFFFF  }
0xa7: {  	s28 =	simm.s32 $_size_execute0_lowered;
	s3 =	sadd.s32 s3, s5;
	[dreg:$0x0] =	wrdreg $0x0  }
0xa8: {  	s5 =	sshll.u32 s28, $0x1;
	[dreg:$0x2] =	wrdreg s3  }
0xa9: {  	[dreg:$0x3] =	wrdreg s5  }
0xaa: {  	[dreg:$0x4] =	wrdreg $0xC0  }
0xab: {  	_ =	task [dreg:s7], $0x5FFFF  }
0xac: {  	[dreg:$0x1] =	wrdreg $0xFFFFFFFF  }
0xad: {  	[dreg:$0x0] =	wrdreg $0x60  }
0xae: {  	[dreg:$0x2] =	wrdreg s24  }
0xaf: {  	[dreg:$0x3] =	wrdreg s2  }
0xb0: {  	[dreg:$0x4] =	wrdreg $0x90000  }
0xb1: {  	[dreg:$0x5] =	wrdreg $0x9  }
0xb2: {  	_ =	task.clear_ibuf [dreg:s7], $0x6FFFF;
	_ =	strace $0x9000004C  }
0xb3: {  	s29 =	simm.s32 $0x9;
	_ =	strace $0x8000004E  }
0xb4: {  	_ =	swait.ge [sflag:s29], $0x1  }
0xb5: {  	[sflag:s29] =	ssyncadd.s32 $0xFFFFFFFF  }
0xb6: {  	_ =	strace $0x9000004E  }
0xb7: {  	_ =	sfence  }
0xb8: {  	s30 =	sld [smem:$0x0];
	_ =	sdelay $0x2  }
0xb9: {  	s31 =	sshll.u32 s1, $0xD;
	s1 =	sshrl.u32 s1, $0x2  }
0xba: {  	s3 =	sand.u32 $0x4000, s31;
	s1 =	sadd.s32 s1, s30  }
0xbb: {  	s0 =	sor.u32 s3, s0;
	s1 =	sshll.u32 s1, $0x11  }
0xbc: {  	s0 =	sor.u32 s1, s0  }
0xbd: {  	s0 =	sadd.s32 $0x8F2B, s0  }
0xbe: {  	[sflag:s0] =	ssyncadd.remote.s32 $0x1  }
0xbf: {  	_ =	sfence.sel $0xFFFF  }
0xc0: {  	[dreg:$0x0] =	wrdreg $0xFFFFFFFF;
	(pc) =	sbr.abs _section_cstart, $3  }
0xc1: {  	[dreg:$0x1] =	wrdreg $0xFFFFFFFF  }
0xc2: {  	_ =	task.clear_ibuf [dreg:s7], $0x2FFFF;
	_ =	strace $0x9FFFFFFF  }
0xc3: {  	(tm) =	ssettm $0x7FFFFFFF  }
tec
execute0_lowered:
.L_overlay_start_1:
0x0: {  	(tag) =	ssettag $0x1  }
0x1: {  	s13 =	rddreg [dreg:$0x0]  }
0x2: {  	s1 =	rddreg [dreg:$0x1]  }
0x3: {  	s2 =	rddreg [dreg:$0x2];
	s3 =	simm.s32 $0x0;
	s6 =	srdreg.scid  }
0x4: {  	s0 =	stileid.u32;
	s20 =	simm.s32 $0x1000;
	s21 =	simm.s32 $0x4  }
0x5: {  	s22 =	simm.s32 $0x2;
	s23 =	simm.s32 $0x3;
	s24 =	simm.s32 $0x0  }
0x6: {  	[smem:$0x7FF] =	sst s3;
	s5 =	sadd.s32 $0xD800, s13;
	s9 =	smul.u32 $0x50000, s0  }
0x7: {  	s11 =	sand.u32 $0x1, s6;
	s6 =	sadd.s32 $0x3800, s13;
	s8 =	smul.u32 $0x5000, s0  }
0x8: {  	s7 =	sadd.s32 $0x35800, s13;
	s18 =	smul.u32 $0x2800, s0;
	_ =	strace $0x8000004D  }
0x9: {  	s10 =	ssub.s32 $0x2, s11;
	s15 =	smul.u32 $0x2800, s11;
	p0 =	seq.s32 s11, $0x1  }
0xa: {  	s11 =	smul.u32 $0x50, s11;
	s12 =	sshrl.u32 s10, $0x1;
	s14 =	sshrl.u32 s9, $0x2  }
0xb: {  	s9 =	sshll.u32 s0, $0x6;
	s16 =	ssub.s32 s10, s12;
	s17 =	sadd.s32 s14, s2  }
.Ltmp0:
0xc: {  	s31 =	sadd.s32 s15, s8;
	s14 =	simm.s32 $0x60000;
	(pc) =	sbr.rel .LBB2_1-.Ltmp0, $4  }
0xd: {  	s10 =	sor.u32 $0x1C04, s9;
	s15 =	sshrl.u32 s31, $0x3;
	s14 =	simm.s32 @!p0 $0x38000  }
0xe: {  	s12 =	sadd.s32 s1, s15;
	s19 =	sadd.s32 s14, s13;
	s13 =	sadd.s32 s6, s15  }
0xf: {  	s14 =	smax.u32 s16, $0x1;
	s16 =	sshrl.u32 s17, $0x3;
	s17 =	simm.s32 $0x5  }
0x10: {  	s15 =	sadd.s32 s19, s18;
	s18 =	simm.s32 $0x400;
	s19 =	simm.s32 $0x80  }
.LBB2_7:
0x11: {  	_ =	swait.ge [sflag:s23], $0x4000  }
0x12: {  	s24 =	sadd.s32 $0x1, s24;
	[sflag:s23] =	ssyncset.done $0x0  }
0x13: {  	p0 =	sne.s32 s24, s14;
	[sflag:s23] =	ssyncadd.s32 $0xFFFFC000  }
.Ltmp1:
0x14: {  	s0 =	sor.u32 $0x1C05, s9;
	[bflag:$0x0] =	sbarrier.arrive $0xFFFF;
	(pc) =	sbr.rel @!p0 .LBB2_8-.Ltmp1, $4  }
0x15: {  	[hbm:s15], [sflag:s0] =	dma.local [spmem:s16], $0x2800  }
0x16: {  	_ =	swait.ge [sflag:s17], $0x2800  }
0x17: {  	[sflag:s17] =	ssyncset.done $0x0  }
0x18: {  	[sflag:s17] =	ssyncadd.s32 $0xFFFFD800  }
.LBB2_1:
0x19: {  	[spmem:s16], [sflag:s10] =	dma.local [hbm:s7], $0x2800  }
0x1a: {  	[tilespmem:s3], [sflag:$0x5] =	stream.linear.gather [hbm4b:s12+s3], $0x400, $0x38;
	[tilespmem:$0x1D000] =	vst v63  }
0x1b: {  	_ =	swait.ge [sflag:s17], $0x400  }
0x1c: {  	[sflag:s17] =	ssyncset.done $0x0  }
0x1d: {  	[sflag:s17] =	ssyncadd.s32 $0xFFFFFC00  }
0x1e: {  	[tilespmem:s18], [sflag:$0x5] =	stream.linear.gather [hbm4b:s13+s3], $0x400, $0x38;
	[tilespmem:$0x1D000] =	vst v63  }
0x1f: {  	_ =	swait.ge [sflag:s17], $0x400  }
0x20: {  	[sflag:s17] =	ssyncset.done $0x0  }
0x21: {  	[sflag:s17] =	ssyncadd.s32 $0xFFFFFC00  }
0x22: {  	[tilespmem:s20], [sflag:$0x2] =	stream.indirect.gather [hbm4b:s5+s19], $0x80, s3, s19, $0xb8;
	[tilespmem:$0x1D000] =	vst v63  }
.Ltmp2:
0x23: {  	_ =	swait.ge [sflag:s21], $0x2800;
	(pc) =	sbr.rel .LBB2_2-.Ltmp2, $4  }
0x24: {  	[sflag:s21] =	ssyncset.done $0x0  }
0x25: {  	[sflag:s21] =	ssyncadd.s32 $0xFFFFD800  }
0x26: {  	[bflag:$0x0] =	sbarrier.arrive $0xFFFF  }
0x27: {  	s25 =	simm.s32 $0x0  }
.LBB2_3:
0x28: {  	s29 =	sadd.s32 $0x1, s28  }
0x29: {  	s30 =	sshll.u32 s29, $0xA  }
0x2a: {  	s30 =	sadd.s32 s8, s30  }
0x2b: {  	s29 =	sshll.u32 s29, $0xB;
	s30 =	sshrl.u32 s30, $0x3  }
0x2c: {  	s29 =	sand.u32 $0x800, s29;
	s31 =	sadd.s32 s1, s30  }
0x2d: {  	[tilespmem:s29], [sflag:$0x1] =	stream.linear.gather [hbm4b:s31+s3], $0x400, $0x38;
	[tilespmem:$0x1D000] =	vst v63  }
0x2e: {  	s30 =	sadd.s32 s6, s30;
	s29 =	sor.u32 $0x400, s29  }
0x2f: {  	[tilespmem:s29], [sflag:$0x1] =	stream.linear.gather [hbm4b:s30+s3], $0x400, $0x38;
	[tilespmem:$0x1D000] =	vst v63  }
.LBB2_5:
0x30: {  	s29 =	sadd.s32 $0x1, s25  }
0x31: {  	p0 =	slt.u32 s25, $0x7;
	s30 =	sand.u32 $0x7, s29  }
0x32: {  	p1 =	sne.s32 @!p0 s30, $0x0  }
0x33: {  	p0 =	por p1, p0  }
0x34: {  	s31 =	simm.s32 @!p0 $0x1  }
0x35: {  	_ =	swait.ge @!p0 [sflag:s31], $0x400  }
0x36: {  	[sflag:s31] =	ssyncset.done @!p0 $0x0  }
0x37: {  	s0 =	sshll.u32 s29, $0xE;
	[sflag:s31] =	ssyncadd.s32 @!p0 $0xFFFFFC00  }
0x38: {  	s4 =	sshll.u32 s29, $0x8;
	s0 =	sand.u32 $0x4000, s0;
	_ =	swait.ge @!p0 [sflag:s31], $0x400  }
0x39: {  	s4 =	sand.u32 $0x800, s4;
	s30 =	sshll.u32 s30, $0x7;
	[sflag:s31] =	ssyncset.done @!p0 $0x0  }
0x3a: {  	s0 =	sor.u32 $0x1000, s0;
	s4 =	sor.u32 s30, s4;
	[sflag:s31] =	ssyncadd.s32 @!p0 $0xFFFFFC00  }
0x3b: {  	[tilespmem:s0], [sflag:$0x2] =	stream.indirect.gather [hbm4b:s5+s19], $0x80, s4, s19, $0xb8;
	[tilespmem:$0x1D000] =	vst v63  }
.LBB2_6:
0x3c: {  	_ =	swait.ge [sflag:s22], $0x4000;
	p0 =	slt.u32 s29, $0x50  }
.Ltmp3:
0x3d: {  	s0 =	sshll.u32 s28, $0xB;
	s4 =	sshll.u32 s25, $0xE;
	(pc) =	sbr.rel @!p0 .LBB2_7-.Ltmp3, $4  }
0x3e: {  	s31 =	sshll.u32 s26, $0x7;
	s25 =	smov.u32 s29;
	s0 =	sand.u32 $0x800, s0  }
0x3f: {  	[sflag:s22] =	ssyncset.done $0x0;
	s4 =	sand.u32 $0x4000, s4;
	s0 =	sor.u32 s31, s0  }
0x40: {  	[sflag:s22] =	ssyncadd.s32 $0xFFFFC000;
	s4 =	sor.u32 $0x1000, s4;
	s0 =	sor.u32 $0x400, s0  }
0x41: {  	[spmem:s2] =	stream.indirect.scatter.add.f32 [tilespmem:s4], [sflag:$0x3], $0x80, s0, s19, $0xb8;
	[tilespmem:$0x1D000] =	vst v63  }
.LBB2_2:
0x42: {  	p0 =	seq.s32 s25, $0x0  }
0x43: {  	s28 =	sadd.s32 s11, s25;
	s26 =	sand.u32 $0x7, s25;
	p1 =	sgt.u32 @!p0 s25, $0x47  }
0x44: {  	p2 =	seq.s32 s28, $0x0;
	p3 =	sne.s32 s26, $0x0;
	p4 =	por p1, p0  }
0x45: {  	p2 =	por !p2, !p3;
	p3 =	sne.s32 @!p4 s26, $0x0  }
0x46: {  	p1 =	por @!p0 p1, p3  }
0x47: {  	p1 =	por p0, !p1  }
.Ltmp4:
0x48: {  	_ = 	snop;
	(pc) =	sbr.rel @p1 .LBB2_3-.Ltmp4, $4  }
0x49: {  	s29 =	simm.s32 @!p0 $0x3  }
0x4a: {  	s30 =	simm.s32 $0x1;
	_ =	swait.ge @!p0 [sflag:s29], $0x4000;
	p2 =	por !p2, !p2  }
0x4b: {  	s28 =	sshrl.u32 s28, $0x3;
	[sflag:s29] =	ssyncset.done @!p0 $0x0;
	s30 =	simm.s32 @!p2 $0x0  }
0x4c: {  	[sflag:s29] =	ssyncadd.s32 @!p0 $0xFFFFC000;
	s28 =	ssub.s32 s28, s30  }
0x4d: {  	p0 =	seq.s32 s25, $0x4F  }
.Ltmp5:
0x4e: {  	_ = 	snop;
	(pc) =	sbr.rel @p0 .LBB2_6-.Ltmp5, $4  }
.Ltmp6:
0x4f: {  	_ = 	snop;
	(pc) =	sbr.rel @!p0 .LBB2_5-.Ltmp6, $4  }
0x50: {  	_ = 	snop  }
0x51: {  	_ = 	snop  }
0x52: {  	s29 =	simm.s32 $0x50  }
0x53: {  	_ = 	snop  }
.LBB2_8:
0x54: {  	_ =	sfence.sel $0x180000  }
0x55: {  	[bflag:$0x0] =	sbarrier.arrive $0xFFFF  }
0x56: {  	_ =	strace $0x9000004D  }
0x57: {  	s0 =	stileid.u32;
	[bflag:$0x2] =	sbarrier.arrive $0xFFFF  }
0x58: {  	p0 =	sne.s32 s0, $0x0;
	s0 =	rddreg [dreg:$0x3]  }
0x59: {  	s0 =	sadd.s32 @!p0 $0x100000, s0  }
0x5a: {  	[sflag:s0] =	ssyncadd.tile.s32 @!p0 $0x1;
	_ =	shalt  }
.Lfunc_end2:
_tile_overlayer_lowered:
.L_overlay_start_2:
0x5b: {  	(tag) =	ssettag $0x2  }
0x5c: {  	s0 =	rddreg [dreg:$0x0];
	s2 =	stileid.u32  }
0x5d: {  	s1 =	rddreg [dreg:$0x1];
	p0 =	sne.s32 s2, $0x0  }
0x5e: {  	s3 =	rddreg [dreg:$0x2];
	[bflag:$0x3] =	sbarrier.arrive $0xFFFF;
	s2 =	simm.s32 @!p0 $0x1C05  }
0x5f: {  	[timem:s3], [sflag:s2] =	dma.local @!p0 [hbm:s0], s1  }
0x60: {  	s0 =	simm.s32 @!p0 $0x5  }
0x61: {  	_ =	swait.ge @!p0 [sflag:s0], s1  }
0x62: {  	s1 =	ssub.s32 @!p0 $0x0, s1;
	[sflag:s0] =	ssyncset.done @!p0 $0x0  }
0x63: {  	[sflag:s0] =	ssyncadd.s32 @!p0 s1  }
0x64: {  	[bflag:$0x3] =	sbarrier.arrive $0xFFFF  }
0x65: {  	_ =	shalt  }

// kernel: kernel.8.cloned.1.call-start
scs
__scs_entry_jumppad:
0x0: {  	(pc) =	sbr.rel $0x88, $3  }
0x1: {  	(tag) =	ssettag $0x0;
	lr =	simm.s32 $0x1  }
0x2: {  	[smem:$0x3F9B] =	sst lr;
	_ =	strace $0xD0000000  }
0x3: {  	_ = 	snop  }
0x4: {  	_ = 	snop  }
0x5: {  	_ = 	snop  }
0x6: {  	_ = 	snop  }
0x7: {  	_ = 	snop  }
__scs_overlays_trampoline_lowered:
0x8: {  	[smem:$0x3FAA] =	sst s0  }
0x9: {  	[smem:$0x3FAB] =	sst s1  }
0xa: {  	[smem:$0x3FAC] =	sst s2  }
0xb: {  	[smem:$0x3FAD] =	sst s3  }
0xc: {  	[smem:$0x3FAE] =	sst s4  }
0xd: {  	[smem:$0x3FAF] =	sst s5  }
0xe: {  	[smem:$0x3FB0] =	sst s6  }
0xf: {  	[smem:$0x3FB1] =	sst s7  }
0x10: {  	[smem:$0x3FB2] =	sst s8  }
0x11: {  	[smem:$0x3FB3] =	sst s9;
	s0 =	simm.s32 @!p0 $0x0  }
0x12: {  	s1 =	sld [smem:$0x3F99];
	s0 =	simm.s32 @p0 $0x1  }
0x13: {  	[smem:$0x3FB4] =	sst s0;
	s0 =	simm.s32 @!p1 $0x0  }
0x14: {  	s2 =	sld [smem:$0x3F98];
	s0 =	simm.s32 @p1 $0x1  }
0x15: {  	[smem:$0x3FB5] =	sst s0;
	s0 =	simm.s32 @!p2 $0x0  }
0x16: {  	s3 =	sld [smem:$0x3FDB];
	s0 =	simm.s32 @p2 $0x1  }
0x17: {  	s4 =	simm.s32 $0x1BF5;
	[smem:$0x3FB7] =	sst s0  }
0x18: {  	s0 =	sld [smem:$0x3F9A];
	_ =	swait.ge [sflag:s4], $0x0  }
0x19: {  	s7 =	sld [smem:$0x3F9B]  }
0x1a: {  	s8 =	sadd.s32 $0xFFFFE003, lr  }
0x1b: {  	s9 =	sadd.s32 $0xFFFFFEF7, lr;
	s5 =	simm.s32 $0xFFFFFFFF;
	p2 =	slt.u32 s8, $0xFFFFF086  }
0x1c: {  	p1 =	slt.u32 s9, $0xF7A;
	s5 =	simm.s32 @!p2 $0x0  }
0x1d: {  	s5 =	simm.s32 @p1 $0x1;
	p0 =	seq.s32 s7, s2  }
0x1e: {  	s7 =	smul.u32 @!p0 $0xF7A, s2;
	p2 =	seq.s32 @!p0 s5, $0x0  }
0x1f: {  	s9 =	smul.u32 $0xF7A, s1;
	s8 =	simm.s32 @!p0 $0x1BF5;
	p2 =	por !p2, p0  }
0x20: {  	[sflag:s8] =	ssyncset.s32 @!p0 $0xFFFFF086;
	s6 =	sadd.s32 @!p0 s3, s7;
	s7 =	simm.s32 @!p0 $0x108  }
0x21: {  	s3 =	sadd.s32 s3, s9;
	s6 =	sadd.s32 @!p0 $0x88, s6;
	s7 =	simm.s32 @p2 $0x1082  }
0x22: {  	[simem:s7], [sflag:s8] =	dma.local @!p0 [hbm:s6], $0xF7A  }
0x23: {  	s9 =	sor.u32 $0xD0000000, s2;
	s6 =	simm.s32 $0x108;
	_ =	swait.ge @!p0 [sflag:s8], $0x0  }
0x24: {  	s3 =	sadd.s32 $0x88, s3;
	s6 =	simm.s32 @!p1 $0x1082;
	[sflag:s4] =	ssyncset.s32 $0xFFFFF086  }
0x25: {  	[simem:s6], [sflag:s4] =	dma.local [hbm:s3], $0xF7A  }
0x26: {  	[smem:$0x3F9B] =	sst s1;
	(tag) =	ssettag s2;
	_ =	strace s9  }
0x27: {  	s1 =	sld [smem:$0x3FAB]  }
0x28: {  	s2 =	sld [smem:$0x3FAC]  }
0x29: {  	s4 =	sld [smem:$0x3FAE]  }
0x2a: {  	p0 =	seq.s32 s5, $0x0;
	s5 =	sld [smem:$0x3FAF]  }
0x2b: {  	s6 =	sld [smem:$0x3FB0]  }
0x2c: {  	s7 =	sld [smem:$0x3FB1]  }
0x2d: {  	s3 =	simm.s32 $0x108;
	s8 =	sld [smem:$0x3FB2]  }
0x2e: {  	s3 =	simm.s32 @!p0 $0x1082;
	s9 =	sld [smem:$0x3FB3]  }
0x2f: {  	lr =	sadd.s32 s0, s3;
	s0 =	sld [smem:$0x3FAA]  }
0x30: {  	s3 =	sld [smem:$0x3FAD]  }
0x31: {  	[smem:$0x3FB6] =	sst s10  }
0x32: {  	s10 =	sld [smem:$0x3FB4];
	_ =	sdelay $0x3  }
0x33: {  	p0 =	seq.s32 s10, $0x1;
	s10 =	sld [smem:$0x3FB6];
	_ =	sdelay $0x3  }
0x34: {  	[smem:$0x3FB6] =	sst s10  }
0x35: {  	s10 =	sld [smem:$0x3FB5];
	_ =	sdelay $0x3  }
0x36: {  	p1 =	seq.s32 s10, $0x1;
	s10 =	sld [smem:$0x3FB6];
	_ =	sdelay $0x3  }
0x37: {  	[smem:$0x3FB6] =	sst s10  }
0x38: {  	s10 =	sld [smem:$0x3FB7]  }
0x39: {  	_ = 	snop;
	(pc) =	sbr.ind lr, $3  }
0x3a: {  	_ = 	snop  }
0x3b: {  	_ = 	snop  }
0x3c: {  	p2 =	seq.s32 s10, $0x1;
	s10 =	sld [smem:$0x3FB6]  }
0x3d: {  	_ =	shalt  }
0x3e: {  	_ =	shalt  }
0x3f: {  	_ =	shalt  }
0x40: {  	_ =	shalt  }
0x41: {  	_ =	shalt  }
0x42: {  	_ =	shalt  }
0x43: {  	_ =	shalt  }
0x44: {  	_ =	shalt  }
0x45: {  	_ =	shalt  }
0x46: {  	_ =	shalt  }
0x47: {  	_ =	shalt  }
0x48: {  	_ =	shalt  }
0x49: {  	_ =	shalt  }
0x4a: {  	_ =	shalt  }
0x4b: {  	_ =	shalt  }
0x4c: {  	_ =	shalt  }
0x4d: {  	_ =	shalt  }
0x4e: {  	_ =	shalt  }
0x4f: {  	_ =	shalt  }
0x50: {  	_ =	shalt  }
0x51: {  	_ =	shalt  }
0x52: {  	_ =	shalt  }
0x53: {  	_ =	shalt  }
0x54: {  	_ =	shalt  }
0x55: {  	_ =	shalt  }
0x56: {  	_ =	shalt  }
0x57: {  	_ =	shalt  }
0x58: {  	_ =	shalt  }
0x59: {  	_ =	shalt  }
0x5a: {  	_ =	shalt  }
0x5b: {  	_ =	shalt  }
0x5c: {  	_ =	shalt  }
0x5d: {  	_ =	shalt  }
0x5e: {  	_ =	shalt  }
0x5f: {  	_ =	shalt  }
0x60: {  	_ =	shalt  }
0x61: {  	_ =	shalt  }
0x62: {  	_ =	shalt  }
0x63: {  	_ =	shalt  }
0x64: {  	_ =	shalt  }
0x65: {  	_ =	shalt  }
0x66: {  	_ =	shalt  }
0x67: {  	_ =	shalt  }
0x68: {  	_ =	shalt  }
0x69: {  	_ =	shalt  }
0x6a: {  	_ =	shalt  }
0x6b: {  	_ =	shalt  }
0x6c: {  	_ =	shalt  }
0x6d: {  	_ =	shalt  }
0x6e: {  	_ =	shalt  }
0x6f: {  	_ =	shalt  }
0x70: {  	_ =	shalt  }
0x71: {  	_ =	shalt  }
0x72: {  	_ =	shalt  }
0x73: {  	_ =	shalt  }
0x74: {  	_ =	shalt  }
0x75: {  	_ =	shalt  }
0x76: {  	_ =	shalt  }
0x77: {  	_ =	shalt  }
0x78: {  	_ =	shalt  }
0x79: {  	_ =	shalt  }
0x7a: {  	_ =	shalt  }
0x7b: {  	_ =	shalt  }
0x7c: {  	_ =	shalt  }
0x7d: {  	_ =	shalt  }
0x7e: {  	_ =	shalt  }
0x7f: {  	_ =	shalt  }
0x80: {  	_ =	shalt  }
0x81: {  	_ =	shalt  }
0x82: {  	_ =	shalt  }
0x83: {  	_ =	shalt  }
0x84: {  	_ =	shalt  }
0x85: {  	_ =	shalt  }
0x86: {  	_ =	shalt  }
0x87: {  	_ =	shalt  }
.Lfunc_end0:
.L_simem_size_0:
called_computation_lowered:
.L_overlay_start_0:
0x88: {  	s2 =	sld [smem:$0x3FD9]  }
0x89: {  	s3 =	sld [smem:$0x3FFE];
	_ =	sdelay $0x1  }
0x8a: {  	s1 =	srdreg.scid  }
0x8b: {  	s0 =	sand.u32 $0x1, s1  }
0x8c: {  	s16 =	sshll.u32 s0, $0xA;
	s2 =	sadd.s32 s3, s2  }
0x8d: {  	s2 =	sadd.s32 s2, s16  }
0x8e: {  	[smem:$0x3FC2] =	sst s2  }
0x8f: {  	_ = 	snop  }
0x90: {  	(tm) =	ssettm $0x1  }
0x91: {  	s17 =	sld [smem:$0x3FFB];
	_ =	sdelay $0x3  }
0x92: {  	_ =	strace s17  }
0x93: {  	s2 =	sld [smem:$0x3FFC];
	_ =	sdelay $0x3  }
0x94: {  	_ =	strace s2  }
0x95: {  	s2 =	sld [smem:$0x3FFD];
	_ =	sdelay $0x3  }
0x96: {  	_ =	strace s2  }
0x97: {  	_ =	strace $0x8FFFFFFF  }
0x98: {  	s18 =	sld [smem:$0x3FDB];
	_ =	sdelay $0x1  }
0x99: {  	s19 =	simm.s32 $_scs_section_size  }
0x9a: {  	s4 =	simm.s32 $_size__tile_overlayer_lowered;
	s5 =	simm.s32 $_tile_overlayer_lowered  }
0x9b: {  	s22 =	simm.s32 $0x1BFF;
	s21 =	sshll.u32 s5, $0x1;
	s2 =	sadd.s32 s19, s18  }
0x9c: {  	s6 =	simm.s32 $0x0;
	s20 =	sshll.u32 s4, $0x1;
	s4 =	sadd.s32 s21, s2  }
0x9d: {  	[timem:s6], [sflag:s22] =	dma.local [hbm:s4], s20  }
0x9e: {  	_ =	swait.ge [sflag:s22], s20  }
0x9f: {  	s3 =	ssub.s32 $0x0, s20;
	[sflag:s22] =	ssyncset.done $0x0  }
0xa0: {  	[sflag:s22] =	ssyncadd.s32 s3;
	_ =	sdelay $0x1  }
0xa1: {  	s23 =	simm.s32 $0x1B8B  }
0xa2: {  	_ =	swait.ge [sflag:s23], $0x1  }
0xa3: {  	[sflag:s23] =	ssyncset.done $0x0  }
0xa4: {  	s25 =	simm.s32 $0x1B8E;
	s24 =	sld [smem:$0x3FFE];
	[sflag:s23] =	ssyncadd.s32 $0xFFFFFFFF  }
0xa5: {  	s26 =	simm.s32 $execute0_lowered;
	[smem:$0x3FD2] =	sst s25  }
0xa6: {  	s4 =	sshll.u32 s26, $0x1;
	_ =	strace $0x80000046;
	[dreg:$0x1] =	wrdreg $0xFFFFFFFF  }
0xa7: {  	s28 =	simm.s32 $_size_execute0_lowered;
	s2 =	sadd.s32 s2, s4;
	[dreg:$0x0] =	wrdreg $0x0  }
0xa8: {  	s4 =	sshll.u32 s28, $0x1;
	[dreg:$0x2] =	wrdreg s2  }
0xa9: {  	[dreg:$0x3] =	wrdreg s4  }
0xaa: {  	[dreg:$0x4] =	wrdreg $0xC0  }
0xab: {  	_ =	task [dreg:s6], $0x5FFFF  }
0xac: {  	[dreg:$0x1] =	wrdreg $0xFFFFFFFF  }
0xad: {  	[dreg:$0x0] =	wrdreg $0x60  }
0xae: {  	[dreg:$0x2] =	wrdreg s24  }
0xaf: {  	[dreg:$0x3] =	wrdreg $0x9  }
0xb0: {  	_ =	task.clear_ibuf [dreg:s6], $0x4FFFF;
	_ =	strace $0x90000046  }
0xb1: {  	s29 =	simm.s32 $0x9;
	_ =	strace $0x80000048  }
0xb2: {  	_ =	swait.ge [sflag:s29], $0x1  }
0xb3: {  	[sflag:s29] =	ssyncadd.s32 $0xFFFFFFFF  }
0xb4: {  	_ =	strace $0x90000048  }
0xb5: {  	_ =	sfence  }
0xb6: {  	s30 =	sld [smem:$0x0];
	_ =	sdelay $0x2  }
0xb7: {  	s31 =	sshll.u32 s1, $0xD;
	s1 =	sshrl.u32 s1, $0x2  }
0xb8: {  	s3 =	sand.u32 $0x4000, s31;
	s1 =	sadd.s32 s1, s30  }
0xb9: {  	s0 =	sor.u32 s3, s0;
	s1 =	sshll.u32 s1, $0x11  }
0xba: {  	s0 =	sor.u32 s1, s0  }
0xbb: {  	s0 =	sadd.s32 $0x8F2B, s0  }
0xbc: {  	[sflag:s0] =	ssyncadd.remote.s32 $0x1  }
0xbd: {  	_ =	sfence.sel $0xFFFF  }
0xbe: {  	[dreg:$0x0] =	wrdreg $0xFFFFFFFF;
	(pc) =	sbr.abs _section_cstart, $3  }
0xbf: {  	[dreg:$0x1] =	wrdreg $0xFFFFFFFF  }
0xc0: {  	_ =	task.clear_ibuf [dreg:s6], $0x2FFFF;
	_ =	strace $0x9FFFFFFF  }
0xc1: {  	(tm) =	ssettm $0x7FFFFFFF  }
tec
execute0_lowered:
.L_overlay_start_1:
0x0: {  	(tag) =	ssettag $0x1  }
0x1: {  	s1 =	srdreg.scid  }
0x2: {  	s0 =	stileid.u32;
	s5 =	rddreg [dreg:$0x0];
	s7 =	simm.s32 $0x400  }
0x3: {  	s8 =	simm.s32 $0x1;
	s9 =	simm.s32 $0x2800;
	s10 =	simm.s32 $0x0  }
0x4: {  	s3 =	sand.u32 $0x1, s1;
	s29 =	sshrl.u32 s0, $0x2;
	s2 =	sshll.u32 s0, $0x8  }
0x5: {  	s4 =	smul.u32 $0x14000, s29;
	s30 =	sshll.u32 s3, $0x7;
	s2 =	sand.u32 $0x300, s2  }
0x6: {  	s1 =	rddreg [dreg:$0x1];
	s3 =	ssub.s32 $0x2, s3;
	s6 =	sor.u32 s30, s2  }
0x7: {  	s2 =	simm.s32 $0x0;
	s31 =	sshrl.u32 s3, $0x1;
	s4 =	sor.u32 s4, s6  }
0x8: {  	[smem:$0x7FF] =	sst s2;
	s6 =	simm.s32 $0x80;
	s4 =	sshrl.u32 s4, $0x3  }
0x9: {  	_ =	strace $0x80000047;
	s4 =	sadd.s32 s4, s5;
	s5 =	ssub.s32 s3, s31  }
0xa: {  	v0 =	vimm.f32 $0.0e+00;
	v1 =	vimm.f32 $1.000000000e+00;
	s3 =	sadd.s32 $0xD800, s4;
	s4 =	sadd.s32 $0x17800, s4;
	s5 =	smax.u32 s5, $0x1  }
.LBB2_1:
0xb: {  	[tilespmem:s2], [sflag:$0x1] =	stream.strided.gather [hbm4b:s3+s6], $0x2800, s7, s6, $0x38;
	[tilespmem:$0x5000] =	vst v63  }
0xc: {  	_ =	swait.ge [sflag:s8], $0x2800  }
0xd: {  	[sflag:s8] =	ssyncset.done $0x0  }
0xe: {  	s11 =	simm.s32 $0x0;
	[sflag:s8] =	ssyncadd.s32 $0xFFFFD800  }
.LBB2_2:
0xf: {  	p0 =	sne.s32 s11, $0x9FC0  }
.Ltmp0:
0x10: {  	_ = 	snop;
	(pc) =	sbr.rel @p0 .LBB2_2-.Ltmp0, $3  }
0x11: {  	_ =	sdelay $0x1  }
0x12: {  	s12 =	sshra.s32 s11, $0x2  }
0x13: {  	s11 =	sadd.s32 $0x40, s11;
	[tilespmem:s12+$0x2800] =	vst v0  }
0x14: {  	s12 =	simm.s32 $0x0;
	s11 =	simm.s32 $0x40  }
.LBB2_4:
0x15: {  	p0 =	sne.s32 s11, $0x9FC0;
	v2 =	vld [tilespmem:s12+$0x0];
	_ =	sdelay $0x3  }
.Ltmp1:
0x16: {  	(pc) =	sbr.rel @p0 .LBB2_4-.Ltmp1, $2  }
0x17: {  	_ =	sdelay $0x2  }
0x18: {  	s12 =	sshra.s32 s11, $0x2;
	s11 =	sadd.s32 $0x40, s11;
	[tilespmem:v2+s9+$0x0] =	vst.idx.add.f32.msk $0xffff, v1  }
0x19: {  	v2 =	vld [tilespmem:s12+$0x0];
	_ =	sdelay $0x5  }
0x1a: {  	s10 =	sadd.s32 $0x1, s10  }
0x1b: {  	p0 =	sne.s32 s10, s5  }
.Ltmp2:
0x1c: {  	[tilespmem:v2+s9+$0x0] =	vst.idx.add.f32.msk $0xffff, v1;
	(pc) =	sbr.rel @p0 .LBB2_1-.Ltmp2, $4  }
0x1d: {  	[hbm4b:s4+s6] =	stream.strided.scatter [tilespmem:s9], [sflag:$0x1], $0x2800, s7, s6, $0x38;
	[tilespmem:$0x5000] =	vst v63  }
0x1e: {  	_ =	swait.ge [sflag:s8], $0x2800  }
0x1f: {  	[sflag:s8] =	ssyncset.done $0x0  }
0x20: {  	[sflag:s8] =	ssyncadd.s32 $0xFFFFD800  }
0x21: {  	_ =	sfence.sel $0x180000  }
0x22: {  	[bflag:$0x0] =	sbarrier.arrive $0xFFFF  }
0x23: {  	p0 =	sne.s32 s0, $0x0;
	_ =	strace $0x90000047  }
0x24: {  	s0 =	sadd.s32 @!p0 $0x100000, s1;
	[bflag:$0x2] =	sbarrier.arrive $0xFFFF  }
0x25: {  	[sflag:s0] =	ssyncadd.tile.s32 @!p0 $0x1;
	_ =	shalt  }
.Lfunc_end2:
_tile_overlayer_lowered:
.L_overlay_start_2:
0x26: {  	(tag) =	ssettag $0x2  }
0x27: {  	s0 =	rddreg [dreg:$0x0];
	s2 =	stileid.u32  }
0x28: {  	s1 =	rddreg [dreg:$0x1];
	p0 =	sne.s32 s2, $0x0  }
0x29: {  	s3 =	rddreg [dreg:$0x2];
	[bflag:$0x3] =	sbarrier.arrive $0xFFFF;
	s2 =	simm.s32 @!p0 $0x1C01  }
0x2a: {  	[timem:s3], [sflag:s2] =	dma.local @!p0 [hbm:s0], s1  }
0x2b: {  	s0 =	simm.s32 @!p0 $0x1  }
0x2c: {  	_ =	swait.ge @!p0 [sflag:s0], s1  }
0x2d: {  	s1 =	ssub.s32 @!p0 $0x0, s1;
	[sflag:s0] =	ssyncset.done @!p0 $0x0  }
0x2e: {  	[sflag:s0] =	ssyncadd.s32 @!p0 s1  }
0x2f: {  	[bflag:$0x3] =	sbarrier.arrive $0xFFFF  }
0x30: {  	_ =	shalt  }

</sc_bundles>
